<compile_context>
chip_gen: v7x
topology: tpu7x:2x2x1
jax: 0.10.2.dev20260603
libtpu: 0.0.44.dev20260713+nightly
codegen_flags: <defaults>
</compile_context>

<pallas_src>
import functools

import jax
import jax.numpy as jnp
from jax import lax
from jax.experimental import pallas as pl
from jax.experimental.pallas import tpu as pltpu
from jax.experimental.pallas import tpu_sc as plsc

NC = 2
NS = 16
NW = NC * NS
CHUNK = 128
D = 128


def _mesh():
    return plsc.VectorSubcoreMesh(
        core_axis_name="c", subcore_axis_name="s", num_cores=NC, num_subcores=NS
    )


def _deg_call(dstr, zeros_rows, ones_rows, n_pad, k):
    rpt = n_pad // NS

    @functools.partial(
        pl.kernel,
        out_type=jax.ShapeDtypeStruct((NC * n_pad, D), jnp.float32),
        mesh=_mesh(),
        scratch_types=[
            pltpu.VMEM((k, CHUNK), jnp.int32),
            pltpu.VMEM((CHUNK, D), jnp.float32),
            pltpu.VMEM_SHARED((n_pad, D), jnp.float32),
        ],
    )
    def deg_k(dstr_hbm, z_hbm, ones_hbm, out_hbm, dst_v, ones_v, acc):
        c = lax.axis_index("c")
        s = lax.axis_index("s")
        w = c * NS + s
        pltpu.sync_copy(dstr_hbm.at[w], dst_v)
        pltpu.sync_copy(ones_hbm, ones_v)
        pltpu.sync_copy(z_hbm, acc.at[pl.ds(s * rpt, rpt)])
        plsc.subcore_barrier()

        def body(j, carry):
            pltpu.sync_copy(ones_v, acc.at[dst_v.at[j]], add=True)
            return carry

        lax.fori_loop(0, k, body, 0)
        plsc.subcore_barrier()
        pltpu.sync_copy(
            acc.at[pl.ds(s * rpt, rpt)],
            out_hbm.at[pl.ds(c * n_pad + s * rpt, rpt)],
        )

    return deg_k(dstr, zeros_rows, ones_rows)


def _scatter_call(hw2, srcr, dstr, zrows, n_pad, k):
    rpt = n_pad // NS

    @functools.partial(
        pl.kernel,
        out_type=jax.ShapeDtypeStruct((NC * n_pad, D), jnp.float32),
        mesh=_mesh(),
        scratch_types=[
            pltpu.VMEM((k, CHUNK), jnp.int32),
            pltpu.VMEM((k, CHUNK), jnp.int32),
            pltpu.VMEM((CHUNK, D), jnp.float32),
            pltpu.SemaphoreType.DMA,
            pltpu.VMEM_SHARED((n_pad, D), jnp.float32),
        ],
    )
    def sc_k(hw2_hbm, srcr_hbm, dstr_hbm, z_hbm, out_hbm,
             src_v, dst_v, rows_v, sem, acc):
        c = lax.axis_index("c")
        s = lax.axis_index("s")
        w = c * NS + s
        pltpu.sync_copy(srcr_hbm.at[w], src_v)
        pltpu.sync_copy(dstr_hbm.at[w], dst_v)
        pltpu.sync_copy(z_hbm, acc.at[pl.ds(s * rpt, rpt)])
        plsc.subcore_barrier()

        def body(j, carry):
            pltpu.async_copy(hw2_hbm.at[src_v.at[j]], rows_v, sem).wait()
            pltpu.sync_copy(rows_v, acc.at[dst_v.at[j]], add=True)
            return carry

        lax.fori_loop(0, k, body, 0)
        plsc.subcore_barrier()
        pltpu.sync_copy(
            acc.at[pl.ds(s * rpt, rpt)],
            out_hbm.at[pl.ds(c * n_pad + s * rpt, rpt)],
        )

    return sc_k(hw2, srcr, dstr, zrows)


def _row_block(n):
    for r in (1024, 800, 640, 512, 400, 320, 256, 200, 160, 128, 80, 40, 16, 8):
        if n % r == 0:
            return r
    return n


def _dis_call(d0, d1):
    n = d0.shape[0]
    r = _row_block(n)

    def k(a_ref, b_ref, o_ref):
        o_ref[...] = lax.rsqrt(a_ref[:, 0:1] + b_ref[:, 0:1] + 1.0)

    mat = pl.BlockSpec((r, D), lambda i: (i, 0))
    return pl.pallas_call(
        k,
        grid=(n // r,),
        in_specs=[mat, mat],
        out_specs=pl.BlockSpec((r, 1), lambda i: (i, 0)),
        out_shape=jax.ShapeDtypeStruct((n, 1), jnp.float32),
    )(d0, d1)


def _matmul_scale_call(h, w_mat, dis):
    n = h.shape[0]
    r = _row_block(n)

    def k(h_ref, w_ref, dis_ref, o_ref):
        o_ref[...] = (
            jnp.dot(
                h_ref[...],
                w_ref[...],
                preferred_element_type=jnp.float32,
                precision=lax.Precision.HIGHEST,
            )
            * dis_ref[...]
        )

    return pl.pallas_call(
        k,
        grid=(n // r,),
        in_specs=[
            pl.BlockSpec((r, D), lambda i: (i, 0)),
            pl.BlockSpec((D, D), lambda i: (0, 0)),
            pl.BlockSpec((r, 1), lambda i: (i, 0)),
        ],
        out_specs=pl.BlockSpec((r, D), lambda i: (i, 0)),
        out_shape=jax.ShapeDtypeStruct((n, D), jnp.float32),
    )(h, w_mat, dis)


def _post_call(p0, p1, hw2, dis, b, g, be, h):
    n = h.shape[0]
    r = _row_block(n)

    def k(p0_ref, p1_ref, hw_ref, dis_ref, b_ref, g_ref, be_ref, h_ref, o_ref):
        agg = dis_ref[...] * (p0_ref[...] + p1_ref[...] + hw_ref[...]) + b_ref[...]
        mu = jnp.mean(agg, axis=-1, keepdims=True)
        xc = agg - mu
        var = jnp.mean(xc * xc, axis=-1, keepdims=True)
        y = xc * lax.rsqrt(var + 1e-5) * g_ref[...] + be_ref[...]
        o_ref[...] = h_ref[...] + jnp.maximum(y, 0.0)

    mat = lambda: pl.BlockSpec((r, D), lambda i: (i, 0))
    vec = lambda: pl.BlockSpec((1, D), lambda i: (0, 0))
    return pl.pallas_call(
        k,
        grid=(n // r,),
        in_specs=[
            mat(),
            mat(),
            mat(),
            pl.BlockSpec((r, 1), lambda i: (i, 0)),
            vec(),
            vec(),
            vec(),
            mat(),
        ],
        out_specs=mat(),
        out_shape=jax.ShapeDtypeStruct((n, D), jnp.float32),
    )(p0, p1, hw2, dis, b, g, be, h)


def kernel(x, edge_index, W0, b0, g0, be0, W1, b1, g1, be1, W2, b2, g2, be2):
    n, d = x.shape
    e = edge_index.shape[1]
    n_pad = ((n + 1) + NS * 8 - 1) // (NS * 8) * (NS * 8)
    per = NW * CHUNK
    k = (e + per - 1) // per
    e_pad = k * per
    pad = e_pad - e

    src = edge_index[0]
    dst = edge_index[1]
    srcp = jnp.concatenate(
        [src, jnp.zeros((pad,), jnp.int32)]
    ).reshape(NW, k, CHUNK)
    dstp = jnp.concatenate(
        [dst, jnp.full((pad,), n, jnp.int32)]
    ).reshape(NW, k, CHUNK)

    rpt = n_pad // NS
    ones_rows = jnp.ones((CHUNK, D), jnp.float32)
    zrows = jnp.zeros((rpt, D), jnp.float32)

    degraw = _deg_call(dstp, zrows, ones_rows, n_pad, k)
    dis = _dis_call(degraw[0:n], degraw[n_pad:n_pad + n])

    h = x
    for (w_mat, b, g, be) in ((W0, b0, g0, be0), (W1, b1, g1, be1), (W2, b2, g2, be2)):
        hw2 = _matmul_scale_call(h, w_mat, dis)
        part = _scatter_call(hw2, srcp, dstp, zrows, n_pad, k)
        h = _post_call(
            part[0:n],
            part[n_pad:n_pad + n],
            hw2,
            dis,
            b.reshape(1, D),
            g.reshape(1, D),
            be.reshape(1, D),
            h,
        )
    return h

# --- scband reference (transcript-rebuilt; emitter-appended) ---
"""Pipeline reference for scband-graph-backbone-32401233281333 (READ-ONLY COPY).

The authoritative reference and input builder live on the scoring server;
editing this copy changes nothing except your own understanding.
"""

import jax, jax.numpy as jnp
import numpy as np

N = 10000
E = 320000
D = 128
L = 3


def setup_inputs(seed: int = 0) -> dict:
    key = jax.random.key(seed)
    ks = jax.random.split(key, 2 + 4 * L)
    inp = {}
    inp['x'] = jax.random.normal(ks[0], (N, D), dtype=jnp.float32)
    inp['edge_index'] = jax.random.randint(ks[1], (2, E), 0, N, dtype=jnp.int32)
    for i in range(L):
        inp[f'W{i}'] = jax.random.normal(ks[2 + 4 * i], (D, D), dtype=jnp.float32) * 0.05
        inp[f'b{i}'] = jnp.zeros((D,), dtype=jnp.float32)
        inp[f'g{i}'] = jnp.ones((D,), dtype=jnp.float32)
        inp[f'be{i}'] = jnp.zeros((D,), dtype=jnp.float32)
    return inp


def _gcn_conv(h, src, dst, W, b, n):
    # PyG GCNConv: h' = D^{-1/2} (A + I) D^{-1/2} (h W) + b
    h = h @ W
    loop = jnp.arange(n, dtype=src.dtype)
    s = jnp.concatenate([src, loop])
    d = jnp.concatenate([dst, loop])
    ones = jnp.ones(s.shape[0], dtype=h.dtype)
    deg = jnp.zeros((n,), dtype=h.dtype).at[d].add(ones)
    dis = jnp.where(deg > 0, jax.lax.rsqrt(jnp.maximum(deg, 1e-12)), 0.0)
    norm = dis[s] * dis[d]
    msg = h[s] * norm[:, None]
    out = jnp.zeros((n, h.shape[1]), dtype=h.dtype).at[d].add(msg)
    return out + b


def _layer_norm(x, g, be, eps=1e-5):
    mu = jnp.mean(x, axis=-1, keepdims=True)
    var = jnp.mean((x - mu) ** 2, axis=-1, keepdims=True)
    return (x - mu) * jax.lax.rsqrt(var + eps) * g + be


def reference(x, edge_index, W0, b0, g0, be0, W1, b1, g1, be1, W2, b2, g2, be2):
    src, dst = edge_index[0], edge_index[1]
    params = [(W0, b0, g0, be0), (W1, b1, g1, be1), (W2, b2, g2, be2)]
    h = x
    for (W, b, g, be) in params:
        out = _gcn_conv(h, src, dst, W, b, h.shape[0])
        out = _layer_norm(out, g, be)
        out = jax.nn.relu(out)
        # dropout p=0.0 is identity; residual applies since shapes match
        h = h + out
    return h

if __name__ == "__main__":
    import jax
    _d = setup_inputs()
    print(jax.jit(kernel)(*tuple(_d.values())))

</pallas_src>

<mosaic_0001>
#map = affine_map<(d0, d1) -> (0, 0)>
#map1 = affine_map<(d0, d1) -> (0, 0, 0)>
module attributes {stable_mosaic.version = 14 : i64} {
  func.func @sc_k(%arg0: i32, %arg1: i32, %arg2: memref<10000x128xf32, #tpu.memory_space<hbm>>, %arg3: memref<32x79x128xi32, #tpu.memory_space<hbm>>, %arg4: memref<32x79x128xi32, #tpu.memory_space<hbm>>, %arg5: memref<632x128xf32, #tpu.memory_space<hbm>>, %arg6: memref<20224x128xf32, #tpu.memory_space<hbm>>, %arg7: memref<79x128xi32, #tpu.memory_space<vmem>>, %arg8: memref<79x128xi32, #tpu.memory_space<vmem>>, %arg9: memref<128x128xf32, #tpu.memory_space<vmem>>, %arg10: memref<!tpu.dma_semaphore, #tpu.memory_space<semaphore_mem>>, %arg11: memref<10112x128xf32, #tpu.memory_space<vmem_shared>>) attributes {dimension_semantics = [#tpu.dimension_semantics<core_parallel>, #tpu.dimension_semantics<subcore_parallel>], iteration_bounds = array<i64: 2, 16>, scalar_prefetch = 0 : i64, scratch_operands = 5 : i64, tpu.core_type = #tpu.core_type<sc_vector_subcore>, window_params = [{transform_indices = #map}, {transform_indices = #map1}, {transform_indices = #map1}, {transform_indices = #map}, {transform_indices = #map}]} {
    %mul3A = arith.constant 16 : i32
    %mul3A_0 = arith.muli %arg0, %mul3A : i32
    %add3A = arith.addi %mul3A_0, %arg1 : i32
    "tpu.region"() ({
      %run_scoped3A = tpu.sem_alloc : memref<!tpu.dma_semaphore, #tpu.memory_space<semaphore_mem>>
      %dma_start3A = arith.constant 0 : i32
      %dma_start3A_16 = arith.constant 0 : i32
      %dma_start3A_17 = tpu.memref_slice %arg3[%add3A, %dma_start3A, %dma_start3A_16] : memref<32x79x128xi32, #tpu.memory_space<hbm>> -> memref<1x79x128xi32, #tpu.memory_space<hbm>>
      %dma_start3A_18 = tpu.memref_squeeze %dma_start3A_17 : memref<1x79x128xi32, #tpu.memory_space<hbm>> -> memref<79x128xi32, #tpu.memory_space<hbm>>
      %dma_start3A_19 = arith.constant 0 : i32
      %dma_start3A_20 = arith.constant 0 : i32
      %dma_start3A_21 = tpu.memref_slice %arg3[%add3A, %dma_start3A_19, %dma_start3A_20] : memref<32x79x128xi32, #tpu.memory_space<hbm>> -> memref<1x79x128xi32, #tpu.memory_space<hbm>>
      %dma_start3A_22 = tpu.memref_squeeze %dma_start3A_21 : memref<1x79x128xi32, #tpu.memory_space<hbm>> -> memref<79x128xi32, #tpu.memory_space<hbm>>
      tpu.enqueue_dma source(%dma_start3A_22 : memref<79x128xi32, #tpu.memory_space<hbm>>) target(%arg7 : memref<79x128xi32, #tpu.memory_space<vmem>>) target_semaphore(%run_scoped3A : memref<!tpu.dma_semaphore, #tpu.memory_space<semaphore_mem>>)
      %dma_wait3A = arith.constant 0 : i32
      %dma_wait3A_23 = arith.constant 0 : i32
      %dma_wait3A_24 = tpu.memref_slice %arg3[%add3A, %dma_wait3A, %dma_wait3A_23] : memref<32x79x128xi32, #tpu.memory_space<hbm>> -> memref<1x79x128xi32, #tpu.memory_space<hbm>>
      %dma_wait3A_25 = tpu.memref_squeeze %dma_wait3A_24 : memref<1x79x128xi32, #tpu.memory_space<hbm>> -> memref<79x128xi32, #tpu.memory_space<hbm>>
      %dma_wait3A_26 = arith.constant 0 : i32
      %dma_wait3A_27 = arith.constant 0 : i32
      %dma_wait3A_28 = tpu.memref_slice %arg3[%add3A, %dma_wait3A_26, %dma_wait3A_27] : memref<32x79x128xi32, #tpu.memory_space<hbm>> -> memref<1x79x128xi32, #tpu.memory_space<hbm>>
      %dma_wait3A_29 = tpu.memref_squeeze %dma_wait3A_28 : memref<1x79x128xi32, #tpu.memory_space<hbm>> -> memref<79x128xi32, #tpu.memory_space<hbm>>
      tpu.wait_dma2 semaphore(%run_scoped3A : memref<!tpu.dma_semaphore, #tpu.memory_space<semaphore_mem>>) src(%dma_wait3A_29 : memref<79x128xi32, #tpu.memory_space<hbm>>) dst(%arg7 : memref<79x128xi32, #tpu.memory_space<vmem>>)
      tpu.yield
    }) : () -> ()
    "tpu.region"() ({
      %run_scoped3A = tpu.sem_alloc : memref<!tpu.dma_semaphore, #tpu.memory_space<semaphore_mem>>
      %dma_start3A = arith.constant 0 : i32
      %dma_start3A_16 = arith.constant 0 : i32
      %dma_start3A_17 = tpu.memref_slice %arg4[%add3A, %dma_start3A, %dma_start3A_16] : memref<32x79x128xi32, #tpu.memory_space<hbm>> -> memref<1x79x128xi32, #tpu.memory_space<hbm>>
      %dma_start3A_18 = tpu.memref_squeeze %dma_start3A_17 : memref<1x79x128xi32, #tpu.memory_space<hbm>> -> memref<79x128xi32, #tpu.memory_space<hbm>>
      %dma_start3A_19 = arith.constant 0 : i32
      %dma_start3A_20 = arith.constant 0 : i32
      %dma_start3A_21 = tpu.memref_slice %arg4[%add3A, %dma_start3A_19, %dma_start3A_20] : memref<32x79x128xi32, #tpu.memory_space<hbm>> -> memref<1x79x128xi32, #tpu.memory_space<hbm>>
      %dma_start3A_22 = tpu.memref_squeeze %dma_start3A_21 : memref<1x79x128xi32, #tpu.memory_space<hbm>> -> memref<79x128xi32, #tpu.memory_space<hbm>>
      tpu.enqueue_dma source(%dma_start3A_22 : memref<79x128xi32, #tpu.memory_space<hbm>>) target(%arg8 : memref<79x128xi32, #tpu.memory_space<vmem>>) target_semaphore(%run_scoped3A : memref<!tpu.dma_semaphore, #tpu.memory_space<semaphore_mem>>)
      %dma_wait3A = arith.constant 0 : i32
      %dma_wait3A_23 = arith.constant 0 : i32
      %dma_wait3A_24 = tpu.memref_slice %arg4[%add3A, %dma_wait3A, %dma_wait3A_23] : memref<32x79x128xi32, #tpu.memory_space<hbm>> -> memref<1x79x128xi32, #tpu.memory_space<hbm>>
      %dma_wait3A_25 = tpu.memref_squeeze %dma_wait3A_24 : memref<1x79x128xi32, #tpu.memory_space<hbm>> -> memref<79x128xi32, #tpu.memory_space<hbm>>
      %dma_wait3A_26 = arith.constant 0 : i32
      %dma_wait3A_27 = arith.constant 0 : i32
      %dma_wait3A_28 = tpu.memref_slice %arg4[%add3A, %dma_wait3A_26, %dma_wait3A_27] : memref<32x79x128xi32, #tpu.memory_space<hbm>> -> memref<1x79x128xi32, #tpu.memory_space<hbm>>
      %dma_wait3A_29 = tpu.memref_squeeze %dma_wait3A_28 : memref<1x79x128xi32, #tpu.memory_space<hbm>> -> memref<79x128xi32, #tpu.memory_space<hbm>>
      tpu.wait_dma2 semaphore(%run_scoped3A : memref<!tpu.dma_semaphore, #tpu.memory_space<semaphore_mem>>) src(%dma_wait3A_29 : memref<79x128xi32, #tpu.memory_space<hbm>>) dst(%arg8 : memref<79x128xi32, #tpu.memory_space<vmem>>)
      tpu.yield
    }) : () -> ()
    %mul3A_1 = arith.constant 632 : i32
    %mul3A_2 = arith.muli %arg1, %mul3A_1 : i32
    "tpu.region"() ({
      %run_scoped3A = tpu.sem_alloc : memref<!tpu.dma_semaphore, #tpu.memory_space<semaphore_mem>>
      %dma_start3A = arith.constant 0 : i32
      %dma_start3A_16 = tpu.memref_slice %arg11[%mul3A_2, %dma_start3A] : memref<10112x128xf32, #tpu.memory_space<vmem_shared>> -> memref<632x128xf32, #tpu.memory_space<vmem_shared>>
      tpu.enqueue_dma source(%arg5 : memref<632x128xf32, #tpu.memory_space<hbm>>) target(%dma_start3A_16 : memref<632x128xf32, #tpu.memory_space<vmem_shared>>) target_semaphore(%run_scoped3A : memref<!tpu.dma_semaphore, #tpu.memory_space<semaphore_mem>>)
      %dma_wait3A = arith.constant 0 : i32
      %dma_wait3A_17 = tpu.memref_slice %arg11[%mul3A_2, %dma_wait3A] : memref<10112x128xf32, #tpu.memory_space<vmem_shared>> -> memref<632x128xf32, #tpu.memory_space<vmem_shared>>
      tpu.wait_dma2 semaphore(%run_scoped3A : memref<!tpu.dma_semaphore, #tpu.memory_space<semaphore_mem>>) src(%arg5 : memref<632x128xf32, #tpu.memory_space<hbm>>) dst(%dma_wait3A_17 : memref<632x128xf32, #tpu.memory_space<vmem_shared>>)
      tpu.yield
    }) : () -> ()
    %barrier3A = arith.constant 0 : index
    tpu.barrier barrier_id(%barrier3A)
    %scan3A = arith.constant 0 : i32
    %scan3A_3 = arith.constant 0 : i32
    %scan3A_4 = arith.constant 79 : i32
    %scan3A_5 = arith.addi %scan3A_3, %scan3A_4 : i32
    %scan3A_6 = arith.constant 1 : i32
    scf.for %scan3A_16 = %scan3A_3 to %scan3A_5 step %scan3A_6  : i32 {
      %dma_start3A = arith.constant 0 : i32
      %dma_start3A_17 = tpu.memref_slice %arg7[%scan3A_16, %dma_start3A] : memref<79x128xi32, #tpu.memory_space<vmem>> -> memref<1x128xi32, #tpu.memory_space<vmem>>
      %dma_start3A_18 = tpu.memref_squeeze %dma_start3A_17 : memref<1x128xi32, #tpu.memory_space<vmem>> -> memref<128xi32, #tpu.memory_space<vmem>>
      %dma_start3A_19 = arith.constant 0 : i32
      %dma_start3A_20 = arith.constant 0 : i32
      %dma_start3A_21 = tpu.memref_slice %arg2[%dma_start3A_19, %dma_start3A_20] : memref<10000x128xf32, #tpu.memory_space<hbm>> -> memref<10000x128xf32, #tpu.memory_space<hbm>>
      tpu.enqueue_indirect_dma source(%dma_start3A_21 : memref<10000x128xf32, #tpu.memory_space<hbm>>) target(%arg9 : memref<128x128xf32, #tpu.memory_space<vmem>>) offsets(%dma_start3A_18 : memref<128xi32, #tpu.memory_space<vmem>>) semaphore(%arg10 : memref<!tpu.dma_semaphore, #tpu.memory_space<semaphore_mem>>)
      %dma_wait3A = arith.constant 0 : i32
      %dma_wait3A_22 = tpu.memref_slice %arg7[%scan3A_16, %dma_wait3A] : memref<79x128xi32, #tpu.memory_space<vmem>> -> memref<1x128xi32, #tpu.memory_space<vmem>>
      %dma_wait3A_23 = tpu.memref_squeeze %dma_wait3A_22 : memref<1x128xi32, #tpu.memory_space<vmem>> -> memref<128xi32, #tpu.memory_space<vmem>>
      %dma_wait3A_24 = arith.constant 0 : i32
      %dma_wait3A_25 = arith.constant 0 : i32
      %dma_wait3A_26 = tpu.memref_slice %arg2[%dma_wait3A_24, %dma_wait3A_25] : memref<10000x128xf32, #tpu.memory_space<hbm>> -> memref<10000x128xf32, #tpu.memory_space<hbm>>
      tpu.wait_indirect_dma semaphore(%arg10 : memref<!tpu.dma_semaphore, #tpu.memory_space<semaphore_mem>>) src(%dma_wait3A_26 : memref<10000x128xf32, #tpu.memory_space<hbm>>) dst(%arg9 : memref<128x128xf32, #tpu.memory_space<vmem>>)
      "tpu.region"() ({
        %run_scoped3A = tpu.sem_alloc : memref<!tpu.dma_semaphore, #tpu.memory_space<semaphore_mem>>
        %dma_start3A_27 = arith.constant 0 : i32
        %dma_start3A_28 = tpu.memref_slice %arg8[%scan3A_16, %dma_start3A_27] : memref<79x128xi32, #tpu.memory_space<vmem>> -> memref<1x128xi32, #tpu.memory_space<vmem>>
        %dma_start3A_29 = tpu.memref_squeeze %dma_start3A_28 : memref<1x128xi32, #tpu.memory_space<vmem>> -> memref<128xi32, #tpu.memory_space<vmem>>
        %dma_start3A_30 = arith.constant 0 : i32
        %dma_start3A_31 = arith.constant 0 : i32
        %dma_start3A_32 = tpu.memref_slice %arg11[%dma_start3A_30, %dma_start3A_31] : memref<10112x128xf32, #tpu.memory_space<vmem_shared>> -> memref<10112x128xf32, #tpu.memory_space<vmem_shared>>
        tpu.enqueue_indirect_dma source(%arg9 : memref<128x128xf32, #tpu.memory_space<vmem>>) target(%dma_start3A_32 : memref<10112x128xf32, #tpu.memory_space<vmem_shared>>) offsets(%dma_start3A_29 : memref<128xi32, #tpu.memory_space<vmem>>) semaphore(%run_scoped3A : memref<!tpu.dma_semaphore, #tpu.memory_space<semaphore_mem>>) {add = true}
        %dma_wait3A_33 = arith.constant 0 : i32
        %dma_wait3A_34 = tpu.memref_slice %arg8[%scan3A_16, %dma_wait3A_33] : memref<79x128xi32, #tpu.memory_space<vmem>> -> memref<1x128xi32, #tpu.memory_space<vmem>>
        %dma_wait3A_35 = tpu.memref_squeeze %dma_wait3A_34 : memref<1x128xi32, #tpu.memory_space<vmem>> -> memref<128xi32, #tpu.memory_space<vmem>>
        %dma_wait3A_36 = arith.constant 0 : i32
        %dma_wait3A_37 = arith.constant 0 : i32
        %dma_wait3A_38 = tpu.memref_slice %arg11[%dma_wait3A_36, %dma_wait3A_37] : memref<10112x128xf32, #tpu.memory_space<vmem_shared>> -> memref<10112x128xf32, #tpu.memory_space<vmem_shared>>
        tpu.wait_indirect_dma semaphore(%run_scoped3A : memref<!tpu.dma_semaphore, #tpu.memory_space<semaphore_mem>>) src(%arg9 : memref<128x128xf32, #tpu.memory_space<vmem>>) dst(%dma_wait3A_38 : memref<10112x128xf32, #tpu.memory_space<vmem_shared>>)
        tpu.yield
      }) : () -> ()
    }
    %scan3A_7 = arith.constant 79 : i32
    %barrier3A_8 = arith.constant 0 : index
    tpu.barrier barrier_id(%barrier3A_8)
    %mul3A_9 = arith.constant 632 : i32
    %mul3A_10 = arith.muli %arg1, %mul3A_9 : i32
    %mul3A_11 = arith.constant 10112 : i32
    %mul3A_12 = arith.muli %arg0, %mul3A_11 : i32
    %mul3A_13 = arith.constant 632 : i32
    %mul3A_14 = arith.muli %arg1, %mul3A_13 : i32
    %add3A_15 = arith.addi %mul3A_12, %mul3A_14 : i32
    "tpu.region"() ({
      %run_scoped3A = tpu.sem_alloc : memref<!tpu.dma_semaphore, #tpu.memory_space<semaphore_mem>>
      %dma_start3A = arith.constant 0 : i32
      %dma_start3A_16 = tpu.memref_slice %arg6[%add3A_15, %dma_start3A] : memref<20224x128xf32, #tpu.memory_space<hbm>> -> memref<632x128xf32, #tpu.memory_space<hbm>>
      %dma_start3A_17 = arith.constant 0 : i32
      %dma_start3A_18 = tpu.memref_slice %arg11[%mul3A_10, %dma_start3A_17] : memref<10112x128xf32, #tpu.memory_space<vmem_shared>> -> memref<632x128xf32, #tpu.memory_space<vmem_shared>>
      tpu.enqueue_dma source(%dma_start3A_18 : memref<632x128xf32, #tpu.memory_space<vmem_shared>>) target(%dma_start3A_16 : memref<632x128xf32, #tpu.memory_space<hbm>>) target_semaphore(%run_scoped3A : memref<!tpu.dma_semaphore, #tpu.memory_space<semaphore_mem>>)
      %dma_wait3A = arith.constant 0 : i32
      %dma_wait3A_19 = tpu.memref_slice %arg6[%add3A_15, %dma_wait3A] : memref<20224x128xf32, #tpu.memory_space<hbm>> -> memref<632x128xf32, #tpu.memory_space<hbm>>
      %dma_wait3A_20 = arith.constant 0 : i32
      %dma_wait3A_21 = tpu.memref_slice %arg11[%mul3A_10, %dma_wait3A_20] : memref<10112x128xf32, #tpu.memory_space<vmem_shared>> -> memref<632x128xf32, #tpu.memory_space<vmem_shared>>
      tpu.wait_dma2 semaphore(%run_scoped3A : memref<!tpu.dma_semaphore, #tpu.memory_space<semaphore_mem>>) src(%dma_wait3A_21 : memref<632x128xf32, #tpu.memory_space<vmem_shared>>) dst(%dma_wait3A_19 : memref<632x128xf32, #tpu.memory_space<hbm>>)
      tpu.yield
    }) : () -> ()
    return
  }
}

#map = affine_map<(d0, d1) -> (0, 0, 0)>
#map1 = affine_map<(d0, d1) -> (0, 0)>
module attributes {stable_mosaic.version = 14 : i64} {
  func.func @deg_k(%arg0: i32, %arg1: i32, %arg2: memref<32x79x128xi32, #tpu.memory_space<hbm>>, %arg3: memref<632x128xf32, #tpu.memory_space<hbm>>, %arg4: memref<128x128xf32, #tpu.memory_space<hbm>>, %arg5: memref<20224x128xf32, #tpu.memory_space<hbm>>, %arg6: memref<79x128xi32, #tpu.memory_space<vmem>>, %arg7: memref<128x128xf32, #tpu.memory_space<vmem>>, %arg8: memref<10112x128xf32, #tpu.memory_space<vmem_shared>>) attributes {dimension_semantics = [#tpu.dimension_semantics<core_parallel>, #tpu.dimension_semantics<subcore_parallel>], iteration_bounds = array<i64: 2, 16>, scalar_prefetch = 0 : i64, scratch_operands = 3 : i64, tpu.core_type = #tpu.core_type<sc_vector_subcore>, window_params = [{transform_indices = #map}, {transform_indices = #map1}, {transform_indices = #map1}, {transform_indices = #map1}]} {
    %mul3A = arith.constant 16 : i32
    %mul3A_0 = arith.muli %arg0, %mul3A : i32
    %add3A = arith.addi %mul3A_0, %arg1 : i32
    "tpu.region"() ({
      %run_scoped3A = tpu.sem_alloc : memref<!tpu.dma_semaphore, #tpu.memory_space<semaphore_mem>>
      %dma_start3A = arith.constant 0 : i32
      %dma_start3A_16 = arith.constant 0 : i32
      %dma_start3A_17 = tpu.memref_slice %arg2[%add3A, %dma_start3A, %dma_start3A_16] : memref<32x79x128xi32, #tpu.memory_space<hbm>> -> memref<1x79x128xi32, #tpu.memory_space<hbm>>
      %dma_start3A_18 = tpu.memref_squeeze %dma_start3A_17 : memref<1x79x128xi32, #tpu.memory_space<hbm>> -> memref<79x128xi32, #tpu.memory_space<hbm>>
      %dma_start3A_19 = arith.constant 0 : i32
      %dma_start3A_20 = arith.constant 0 : i32
      %dma_start3A_21 = tpu.memref_slice %arg2[%add3A, %dma_start3A_19, %dma_start3A_20] : memref<32x79x128xi32, #tpu.memory_space<hbm>> -> memref<1x79x128xi32, #tpu.memory_space<hbm>>
      %dma_start3A_22 = tpu.memref_squeeze %dma_start3A_21 : memref<1x79x128xi32, #tpu.memory_space<hbm>> -> memref<79x128xi32, #tpu.memory_space<hbm>>
      tpu.enqueue_dma source(%dma_start3A_22 : memref<79x128xi32, #tpu.memory_space<hbm>>) target(%arg6 : memref<79x128xi32, #tpu.memory_space<vmem>>) target_semaphore(%run_scoped3A : memref<!tpu.dma_semaphore, #tpu.memory_space<semaphore_mem>>)
      %dma_wait3A = arith.constant 0 : i32
      %dma_wait3A_23 = arith.constant 0 : i32
      %dma_wait3A_24 = tpu.memref_slice %arg2[%add3A, %dma_wait3A, %dma_wait3A_23] : memref<32x79x128xi32, #tpu.memory_space<hbm>> -> memref<1x79x128xi32, #tpu.memory_space<hbm>>
      %dma_wait3A_25 = tpu.memref_squeeze %dma_wait3A_24 : memref<1x79x128xi32, #tpu.memory_space<hbm>> -> memref<79x128xi32, #tpu.memory_space<hbm>>
      %dma_wait3A_26 = arith.constant 0 : i32
      %dma_wait3A_27 = arith.constant 0 : i32
      %dma_wait3A_28 = tpu.memref_slice %arg2[%add3A, %dma_wait3A_26, %dma_wait3A_27] : memref<32x79x128xi32, #tpu.memory_space<hbm>> -> memref<1x79x128xi32, #tpu.memory_space<hbm>>
      %dma_wait3A_29 = tpu.memref_squeeze %dma_wait3A_28 : memref<1x79x128xi32, #tpu.memory_space<hbm>> -> memref<79x128xi32, #tpu.memory_space<hbm>>
      tpu.wait_dma2 semaphore(%run_scoped3A : memref<!tpu.dma_semaphore, #tpu.memory_space<semaphore_mem>>) src(%dma_wait3A_29 : memref<79x128xi32, #tpu.memory_space<hbm>>) dst(%arg6 : memref<79x128xi32, #tpu.memory_space<vmem>>)
      tpu.yield
    }) : () -> ()
    "tpu.region"() ({
      %run_scoped3A = tpu.sem_alloc : memref<!tpu.dma_semaphore, #tpu.memory_space<semaphore_mem>>
      tpu.enqueue_dma source(%arg4 : memref<128x128xf32, #tpu.memory_space<hbm>>) target(%arg7 : memref<128x128xf32, #tpu.memory_space<vmem>>) target_semaphore(%run_scoped3A : memref<!tpu.dma_semaphore, #tpu.memory_space<semaphore_mem>>)
      tpu.wait_dma2 semaphore(%run_scoped3A : memref<!tpu.dma_semaphore, #tpu.memory_space<semaphore_mem>>) src(%arg4 : memref<128x128xf32, #tpu.memory_space<hbm>>) dst(%arg7 : memref<128x128xf32, #tpu.memory_space<vmem>>)
      tpu.yield
    }) : () -> ()
    %mul3A_1 = arith.constant 632 : i32
    %mul3A_2 = arith.muli %arg1, %mul3A_1 : i32
    "tpu.region"() ({
      %run_scoped3A = tpu.sem_alloc : memref<!tpu.dma_semaphore, #tpu.memory_space<semaphore_mem>>
      %dma_start3A = arith.constant 0 : i32
      %dma_start3A_16 = tpu.memref_slice %arg8[%mul3A_2, %dma_start3A] : memref<10112x128xf32, #tpu.memory_space<vmem_shared>> -> memref<632x128xf32, #tpu.memory_space<vmem_shared>>
      tpu.enqueue_dma source(%arg3 : memref<632x128xf32, #tpu.memory_space<hbm>>) target(%dma_start3A_16 : memref<632x128xf32, #tpu.memory_space<vmem_shared>>) target_semaphore(%run_scoped3A : memref<!tpu.dma_semaphore, #tpu.memory_space<semaphore_mem>>)
      %dma_wait3A = arith.constant 0 : i32
      %dma_wait3A_17 = tpu.memref_slice %arg8[%mul3A_2, %dma_wait3A] : memref<10112x128xf32, #tpu.memory_space<vmem_shared>> -> memref<632x128xf32, #tpu.memory_space<vmem_shared>>
      tpu.wait_dma2 semaphore(%run_scoped3A : memref<!tpu.dma_semaphore, #tpu.memory_space<semaphore_mem>>) src(%arg3 : memref<632x128xf32, #tpu.memory_space<hbm>>) dst(%dma_wait3A_17 : memref<632x128xf32, #tpu.memory_space<vmem_shared>>)
      tpu.yield
    }) : () -> ()
    %barrier3A = arith.constant 0 : index
    tpu.barrier barrier_id(%barrier3A)
    %scan3A = arith.constant 0 : i32
    %scan3A_3 = arith.constant 0 : i32
    %scan3A_4 = arith.constant 79 : i32
    %scan3A_5 = arith.addi %scan3A_3, %scan3A_4 : i32
    %scan3A_6 = arith.constant 1 : i32
    scf.for %scan3A_16 = %scan3A_3 to %scan3A_5 step %scan3A_6  : i32 {
      "tpu.region"() ({
        %run_scoped3A = tpu.sem_alloc : memref<!tpu.dma_semaphore, #tpu.memory_space<semaphore_mem>>
        %dma_start3A = arith.constant 0 : i32
        %dma_start3A_17 = tpu.memref_slice %arg6[%scan3A_16, %dma_start3A] : memref<79x128xi32, #tpu.memory_space<vmem>> -> memref<1x128xi32, #tpu.memory_space<vmem>>
        %dma_start3A_18 = tpu.memref_squeeze %dma_start3A_17 : memref<1x128xi32, #tpu.memory_space<vmem>> -> memref<128xi32, #tpu.memory_space<vmem>>
        %dma_start3A_19 = arith.constant 0 : i32
        %dma_start3A_20 = arith.constant 0 : i32
        %dma_start3A_21 = tpu.memref_slice %arg8[%dma_start3A_19, %dma_start3A_20] : memref<10112x128xf32, #tpu.memory_space<vmem_shared>> -> memref<10112x128xf32, #tpu.memory_space<vmem_shared>>
        tpu.enqueue_indirect_dma source(%arg7 : memref<128x128xf32, #tpu.memory_space<vmem>>) target(%dma_start3A_21 : memref<10112x128xf32, #tpu.memory_space<vmem_shared>>) offsets(%dma_start3A_18 : memref<128xi32, #tpu.memory_space<vmem>>) semaphore(%run_scoped3A : memref<!tpu.dma_semaphore, #tpu.memory_space<semaphore_mem>>) {add = true}
        %dma_wait3A = arith.constant 0 : i32
        %dma_wait3A_22 = tpu.memref_slice %arg6[%scan3A_16, %dma_wait3A] : memref<79x128xi32, #tpu.memory_space<vmem>> -> memref<1x128xi32, #tpu.memory_space<vmem>>
        %dma_wait3A_23 = tpu.memref_squeeze %dma_wait3A_22 : memref<1x128xi32, #tpu.memory_space<vmem>> -> memref<128xi32, #tpu.memory_space<vmem>>
        %dma_wait3A_24 = arith.constant 0 : i32
        %dma_wait3A_25 = arith.constant 0 : i32
        %dma_wait3A_26 = tpu.memref_slice %arg8[%dma_wait3A_24, %dma_wait3A_25] : memref<10112x128xf32, #tpu.memory_space<vmem_shared>> -> memref<10112x128xf32, #tpu.memory_space<vmem_shared>>
        tpu.wait_indirect_dma semaphore(%run_scoped3A : memref<!tpu.dma_semaphore, #tpu.memory_space<semaphore_mem>>) src(%arg7 : memref<128x128xf32, #tpu.memory_space<vmem>>) dst(%dma_wait3A_26 : memref<10112x128xf32, #tpu.memory_space<vmem_shared>>)
        tpu.yield
      }) : () -> ()
    }
    %scan3A_7 = arith.constant 79 : i32
    %barrier3A_8 = arith.constant 0 : index
    tpu.barrier barrier_id(%barrier3A_8)
    %mul3A_9 = arith.constant 632 : i32
    %mul3A_10 = arith.muli %arg1, %mul3A_9 : i32
    %mul3A_11 = arith.constant 10112 : i32
    %mul3A_12 = arith.muli %arg0, %mul3A_11 : i32
    %mul3A_13 = arith.constant 632 : i32
    %mul3A_14 = arith.muli %arg1, %mul3A_13 : i32
    %add3A_15 = arith.addi %mul3A_12, %mul3A_14 : i32
    "tpu.region"() ({
      %run_scoped3A = tpu.sem_alloc : memref<!tpu.dma_semaphore, #tpu.memory_space<semaphore_mem>>
      %dma_start3A = arith.constant 0 : i32
      %dma_start3A_16 = tpu.memref_slice %arg5[%add3A_15, %dma_start3A] : memref<20224x128xf32, #tpu.memory_space<hbm>> -> memref<632x128xf32, #tpu.memory_space<hbm>>
      %dma_start3A_17 = arith.constant 0 : i32
      %dma_start3A_18 = tpu.memref_slice %arg8[%mul3A_10, %dma_start3A_17] : memref<10112x128xf32, #tpu.memory_space<vmem_shared>> -> memref<632x128xf32, #tpu.memory_space<vmem_shared>>
      tpu.enqueue_dma source(%dma_start3A_18 : memref<632x128xf32, #tpu.memory_space<vmem_shared>>) target(%dma_start3A_16 : memref<632x128xf32, #tpu.memory_space<hbm>>) target_semaphore(%run_scoped3A : memref<!tpu.dma_semaphore, #tpu.memory_space<semaphore_mem>>)
      %dma_wait3A = arith.constant 0 : i32
      %dma_wait3A_19 = tpu.memref_slice %arg5[%add3A_15, %dma_wait3A] : memref<20224x128xf32, #tpu.memory_space<hbm>> -> memref<632x128xf32, #tpu.memory_space<hbm>>
      %dma_wait3A_20 = arith.constant 0 : i32
      %dma_wait3A_21 = tpu.memref_slice %arg8[%mul3A_10, %dma_wait3A_20] : memref<10112x128xf32, #tpu.memory_space<vmem_shared>> -> memref<632x128xf32, #tpu.memory_space<vmem_shared>>
      tpu.wait_dma2 semaphore(%run_scoped3A : memref<!tpu.dma_semaphore, #tpu.memory_space<semaphore_mem>>) src(%dma_wait3A_21 : memref<632x128xf32, #tpu.memory_space<vmem_shared>>) dst(%dma_wait3A_19 : memref<632x128xf32, #tpu.memory_space<hbm>>)
      tpu.yield
    }) : () -> ()
    return
  }
}

#map = affine_map<(d0, d1) -> (0, 0)>
#map1 = affine_map<(d0, d1) -> (0, 0, 0)>
module attributes {stable_mosaic.version = 14 : i64} {
  func.func @sc_k(%arg0: i32, %arg1: i32, %arg2: memref<10000x128xf32, #tpu.memory_space<hbm>>, %arg3: memref<32x79x128xi32, #tpu.memory_space<hbm>>, %arg4: memref<32x79x128xi32, #tpu.memory_space<hbm>>, %arg5: memref<632x128xf32, #tpu.memory_space<hbm>>, %arg6: memref<20224x128xf32, #tpu.memory_space<hbm>>, %arg7: memref<79x128xi32, #tpu.memory_space<vmem>>, %arg8: memref<79x128xi32, #tpu.memory_space<vmem>>, %arg9: memref<128x128xf32, #tpu.memory_space<vmem>>, %arg10: memref<!tpu.dma_semaphore, #tpu.memory_space<semaphore_mem>>, %arg11: memref<10112x128xf32, #tpu.memory_space<vmem_shared>>) attributes {dimension_semantics = [#tpu.dimension_semantics<core_parallel>, #tpu.dimension_semantics<subcore_parallel>], iteration_bounds = array<i64: 2, 16>, scalar_prefetch = 0 : i64, scratch_operands = 5 : i64, tpu.core_type = #tpu.core_type<sc_vector_subcore>, window_params = [{transform_indices = #map}, {transform_indices = #map1}, {transform_indices = #map1}, {transform_indices = #map}, {transform_indices = #map}]} {
    %mul3A = arith.constant 16 : i32
    %mul3A_0 = arith.muli %arg0, %mul3A : i32
    %add3A = arith.addi %mul3A_0, %arg1 : i32
    "tpu.region"() ({
      %run_scoped3A = tpu.sem_alloc : memref<!tpu.dma_semaphore, #tpu.memory_space<semaphore_mem>>
      %dma_start3A = arith.constant 0 : i32
      %dma_start3A_16 = arith.constant 0 : i32
      %dma_start3A_17 = tpu.memref_slice %arg3[%add3A, %dma_start3A, %dma_start3A_16] : memref<32x79x128xi32, #tpu.memory_space<hbm>> -> memref<1x79x128xi32, #tpu.memory_space<hbm>>
      %dma_start3A_18 = tpu.memref_squeeze %dma_start3A_17 : memref<1x79x128xi32, #tpu.memory_space<hbm>> -> memref<79x128xi32, #tpu.memory_space<hbm>>
      %dma_start3A_19 = arith.constant 0 : i32
      %dma_start3A_20 = arith.constant 0 : i32
      %dma_start3A_21 = tpu.memref_slice %arg3[%add3A, %dma_start3A_19, %dma_start3A_20] : memref<32x79x128xi32, #tpu.memory_space<hbm>> -> memref<1x79x128xi32, #tpu.memory_space<hbm>>
      %dma_start3A_22 = tpu.memref_squeeze %dma_start3A_21 : memref<1x79x128xi32, #tpu.memory_space<hbm>> -> memref<79x128xi32, #tpu.memory_space<hbm>>
      tpu.enqueue_dma source(%dma_start3A_22 : memref<79x128xi32, #tpu.memory_space<hbm>>) target(%arg7 : memref<79x128xi32, #tpu.memory_space<vmem>>) target_semaphore(%run_scoped3A : memref<!tpu.dma_semaphore, #tpu.memory_space<semaphore_mem>>)
      %dma_wait3A = arith.constant 0 : i32
      %dma_wait3A_23 = arith.constant 0 : i32
      %dma_wait3A_24 = tpu.memref_slice %arg3[%add3A, %dma_wait3A, %dma_wait3A_23] : memref<32x79x128xi32, #tpu.memory_space<hbm>> -> memref<1x79x128xi32, #tpu.memory_space<hbm>>
      %dma_wait3A_25 = tpu.memref_squeeze %dma_wait3A_24 : memref<1x79x128xi32, #tpu.memory_space<hbm>> -> memref<79x128xi32, #tpu.memory_space<hbm>>
      %dma_wait3A_26 = arith.constant 0 : i32
      %dma_wait3A_27 = arith.constant 0 : i32
      %dma_wait3A_28 = tpu.memref_slice %arg3[%add3A, %dma_wait3A_26, %dma_wait3A_27] : memref<32x79x128xi32, #tpu.memory_space<hbm>> -> memref<1x79x128xi32, #tpu.memory_space<hbm>>
      %dma_wait3A_29 = tpu.memref_squeeze %dma_wait3A_28 : memref<1x79x128xi32, #tpu.memory_space<hbm>> -> memref<79x128xi32, #tpu.memory_space<hbm>>
      tpu.wait_dma2 semaphore(%run_scoped3A : memref<!tpu.dma_semaphore, #tpu.memory_space<semaphore_mem>>) src(%dma_wait3A_29 : memref<79x128xi32, #tpu.memory_space<hbm>>) dst(%arg7 : memref<79x128xi32, #tpu.memory_space<vmem>>)
      tpu.yield
    }) : () -> ()
    "tpu.region"() ({
      %run_scoped3A = tpu.sem_alloc : memref<!tpu.dma_semaphore, #tpu.memory_space<semaphore_mem>>
      %dma_start3A = arith.constant 0 : i32
      %dma_start3A_16 = arith.constant 0 : i32
      %dma_start3A_17 = tpu.memref_slice %arg4[%add3A, %dma_start3A, %dma_start3A_16] : memref<32x79x128xi32, #tpu.memory_space<hbm>> -> memref<1x79x128xi32, #tpu.memory_space<hbm>>
      %dma_start3A_18 = tpu.memref_squeeze %dma_start3A_17 : memref<1x79x128xi32, #tpu.memory_space<hbm>> -> memref<79x128xi32, #tpu.memory_space<hbm>>
      %dma_start3A_19 = arith.constant 0 : i32
      %dma_start3A_20 = arith.constant 0 : i32
      %dma_start3A_21 = tpu.memref_slice %arg4[%add3A, %dma_start3A_19, %dma_start3A_20] : memref<32x79x128xi32, #tpu.memory_space<hbm>> -> memref<1x79x128xi32, #tpu.memory_space<hbm>>
      %dma_start3A_22 = tpu.memref_squeeze %dma_start3A_21 : memref<1x79x128xi32, #tpu.memory_space<hbm>> -> memref<79x128xi32, #tpu.memory_space<hbm>>
      tpu.enqueue_dma source(%dma_start3A_22 : memref<79x128xi32, #tpu.memory_space<hbm>>) target(%arg8 : memref<79x128xi32, #tpu.memory_space<vmem>>) target_semaphore(%run_scoped3A : memref<!tpu.dma_semaphore, #tpu.memory_space<semaphore_mem>>)
      %dma_wait3A = arith.constant 0 : i32
      %dma_wait3A_23 = arith.constant 0 : i32
      %dma_wait3A_24 = tpu.memref_slice %arg4[%add3A, %dma_wait3A, %dma_wait3A_23] : memref<32x79x128xi32, #tpu.memory_space<hbm>> -> memref<1x79x128xi32, #tpu.memory_space<hbm>>
      %dma_wait3A_25 = tpu.memref_squeeze %dma_wait3A_24 : memref<1x79x128xi32, #tpu.memory_space<hbm>> -> memref<79x128xi32, #tpu.memory_space<hbm>>
      %dma_wait3A_26 = arith.constant 0 : i32
      %dma_wait3A_27 = arith.constant 0 : i32
      %dma_wait3A_28 = tpu.memref_slice %arg4[%add3A, %dma_wait3A_26, %dma_wait3A_27] : memref<32x79x128xi32, #tpu.memory_space<hbm>> -> memref<1x79x128xi32, #tpu.memory_space<hbm>>
      %dma_wait3A_29 = tpu.memref_squeeze %dma_wait3A_28 : memref<1x79x128xi32, #tpu.memory_space<hbm>> -> memref<79x128xi32, #tpu.memory_space<hbm>>
      tpu.wait_dma2 semaphore(%run_scoped3A : memref<!tpu.dma_semaphore, #tpu.memory_space<semaphore_mem>>) src(%dma_wait3A_29 : memref<79x128xi32, #tpu.memory_space<hbm>>) dst(%arg8 : memref<79x128xi32, #tpu.memory_space<vmem>>)
      tpu.yield
    }) : () -> ()
    %mul3A_1 = arith.constant 632 : i32
    %mul3A_2 = arith.muli %arg1, %mul3A_1 : i32
    "tpu.region"() ({
      %run_scoped3A = tpu.sem_alloc : memref<!tpu.dma_semaphore, #tpu.memory_space<semaphore_mem>>
      %dma_start3A = arith.constant 0 : i32
      %dma_start3A_16 = tpu.memref_slice %arg11[%mul3A_2, %dma_start3A] : memref<10112x128xf32, #tpu.memory_space<vmem_shared>> -> memref<632x128xf32, #tpu.memory_space<vmem_shared>>
      tpu.enqueue_dma source(%arg5 : memref<632x128xf32, #tpu.memory_space<hbm>>) target(%dma_start3A_16 : memref<632x128xf32, #tpu.memory_space<vmem_shared>>) target_semaphore(%run_scoped3A : memref<!tpu.dma_semaphore, #tpu.memory_space<semaphore_mem>>)
      %dma_wait3A = arith.constant 0 : i32
      %dma_wait3A_17 = tpu.memref_slice %arg11[%mul3A_2, %dma_wait3A] : memref<10112x128xf32, #tpu.memory_space<vmem_shared>> -> memref<632x128xf32, #tpu.memory_space<vmem_shared>>
      tpu.wait_dma2 semaphore(%run_scoped3A : memref<!tpu.dma_semaphore, #tpu.memory_space<semaphore_mem>>) src(%arg5 : memref<632x128xf32, #tpu.memory_space<hbm>>) dst(%dma_wait3A_17 : memref<632x128xf32, #tpu.memory_space<vmem_shared>>)
      tpu.yield
    }) : () -> ()
    %barrier3A = arith.constant 0 : index
    tpu.barrier barrier_id(%barrier3A)
    %scan3A = arith.constant 0 : i32
    %scan3A_3 = arith.constant 0 : i32
    %scan3A_4 = arith.constant 79 : i32
    %scan3A_5 = arith.addi %scan3A_3, %scan3A_4 : i32
    %scan3A_6 = arith.constant 1 : i32
    scf.for %scan3A_16 = %scan3A_3 to %scan3A_5 step %scan3A_6  : i32 {
      %dma_start3A = arith.constant 0 : i32
      %dma_start3A_17 = tpu.memref_slice %arg7[%scan3A_16, %dma_start3A] : memref<79x128xi32, #tpu.memory_space<vmem>> -> memref<1x128xi32, #tpu.memory_space<vmem>>
      %dma_start3A_18 = tpu.memref_squeeze %dma_start3A_17 : memref<1x128xi32, #tpu.memory_space<vmem>> -> memref<128xi32, #tpu.memory_space<vmem>>
      %dma_start3A_19 = arith.constant 0 : i32
      %dma_start3A_20 = arith.constant 0 : i32
      %dma_start3A_21 = tpu.memref_slice %arg2[%dma_start3A_19, %dma_start3A_20] : memref<10000x128xf32, #tpu.memory_space<hbm>> -> memref<10000x128xf32, #tpu.memory_space<hbm>>
      tpu.enqueue_indirect_dma source(%dma_start3A_21 : memref<10000x128xf32, #tpu.memory_space<hbm>>) target(%arg9 : memref<128x128xf32, #tpu.memory_space<vmem>>) offsets(%dma_start3A_18 : memref<128xi32, #tpu.memory_space<vmem>>) semaphore(%arg10 : memref<!tpu.dma_semaphore, #tpu.memory_space<semaphore_mem>>)
      %dma_wait3A = arith.constant 0 : i32
      %dma_wait3A_22 = tpu.memref_slice %arg7[%scan3A_16, %dma_wait3A] : memref<79x128xi32, #tpu.memory_space<vmem>> -> memref<1x128xi32, #tpu.memory_space<vmem>>
      %dma_wait3A_23 = tpu.memref_squeeze %dma_wait3A_22 : memref<1x128xi32, #tpu.memory_space<vmem>> -> memref<128xi32, #tpu.memory_space<vmem>>
      %dma_wait3A_24 = arith.constant 0 : i32
      %dma_wait3A_25 = arith.constant 0 : i32
      %dma_wait3A_26 = tpu.memref_slice %arg2[%dma_wait3A_24, %dma_wait3A_25] : memref<10000x128xf32, #tpu.memory_space<hbm>> -> memref<10000x128xf32, #tpu.memory_space<hbm>>
      tpu.wait_indirect_dma semaphore(%arg10 : memref<!tpu.dma_semaphore, #tpu.memory_space<semaphore_mem>>) src(%dma_wait3A_26 : memref<10000x128xf32, #tpu.memory_space<hbm>>) dst(%arg9 : memref<128x128xf32, #tpu.memory_space<vmem>>)
      "tpu.region"() ({
        %run_scoped3A = tpu.sem_alloc : memref<!tpu.dma_semaphore, #tpu.memory_space<semaphore_mem>>
        %dma_start3A_27 = arith.constant 0 : i32
        %dma_start3A_28 = tpu.memref_slice %arg8[%scan3A_16, %dma_start3A_27] : memref<79x128xi32, #tpu.memory_space<vmem>> -> memref<1x128xi32, #tpu.memory_space<vmem>>
        %dma_start3A_29 = tpu.memref_squeeze %dma_start3A_28 : memref<1x128xi32, #tpu.memory_space<vmem>> -> memref<128xi32, #tpu.memory_space<vmem>>
        %dma_start3A_30 = arith.constant 0 : i32
        %dma_start3A_31 = arith.constant 0 : i32
        %dma_start3A_32 = tpu.memref_slice %arg11[%dma_start3A_30, %dma_start3A_31] : memref<10112x128xf32, #tpu.memory_space<vmem_shared>> -> memref<10112x128xf32, #tpu.memory_space<vmem_shared>>
        tpu.enqueue_indirect_dma source(%arg9 : memref<128x128xf32, #tpu.memory_space<vmem>>) target(%dma_start3A_32 : memref<10112x128xf32, #tpu.memory_space<vmem_shared>>) offsets(%dma_start3A_29 : memref<128xi32, #tpu.memory_space<vmem>>) semaphore(%run_scoped3A : memref<!tpu.dma_semaphore, #tpu.memory_space<semaphore_mem>>) {add = true}
        %dma_wait3A_33 = arith.constant 0 : i32
        %dma_wait3A_34 = tpu.memref_slice %arg8[%scan3A_16, %dma_wait3A_33] : memref<79x128xi32, #tpu.memory_space<vmem>> -> memref<1x128xi32, #tpu.memory_space<vmem>>
        %dma_wait3A_35 = tpu.memref_squeeze %dma_wait3A_34 : memref<1x128xi32, #tpu.memory_space<vmem>> -> memref<128xi32, #tpu.memory_space<vmem>>
        %dma_wait3A_36 = arith.constant 0 : i32
        %dma_wait3A_37 = arith.constant 0 : i32
        %dma_wait3A_38 = tpu.memref_slice %arg11[%dma_wait3A_36, %dma_wait3A_37] : memref<10112x128xf32, #tpu.memory_space<vmem_shared>> -> memref<10112x128xf32, #tpu.memory_space<vmem_shared>>
        tpu.wait_indirect_dma semaphore(%run_scoped3A : memref<!tpu.dma_semaphore, #tpu.memory_space<semaphore_mem>>) src(%arg9 : memref<128x128xf32, #tpu.memory_space<vmem>>) dst(%dma_wait3A_38 : memref<10112x128xf32, #tpu.memory_space<vmem_shared>>)
        tpu.yield
      }) : () -> ()
    }
    %scan3A_7 = arith.constant 79 : i32
    %barrier3A_8 = arith.constant 0 : index
    tpu.barrier barrier_id(%barrier3A_8)
    %mul3A_9 = arith.constant 632 : i32
    %mul3A_10 = arith.muli %arg1, %mul3A_9 : i32
    %mul3A_11 = arith.constant 10112 : i32
    %mul3A_12 = arith.muli %arg0, %mul3A_11 : i32
    %mul3A_13 = arith.constant 632 : i32
    %mul3A_14 = arith.muli %arg1, %mul3A_13 : i32
    %add3A_15 = arith.addi %mul3A_12, %mul3A_14 : i32
    "tpu.region"() ({
      %run_scoped3A = tpu.sem_alloc : memref<!tpu.dma_semaphore, #tpu.memory_space<semaphore_mem>>
      %dma_start3A = arith.constant 0 : i32
      %dma_start3A_16 = tpu.memref_slice %arg6[%add3A_15, %dma_start3A] : memref<20224x128xf32, #tpu.memory_space<hbm>> -> memref<632x128xf32, #tpu.memory_space<hbm>>
      %dma_start3A_17 = arith.constant 0 : i32
      %dma_start3A_18 = tpu.memref_slice %arg11[%mul3A_10, %dma_start3A_17] : memref<10112x128xf32, #tpu.memory_space<vmem_shared>> -> memref<632x128xf32, #tpu.memory_space<vmem_shared>>
      tpu.enqueue_dma source(%dma_start3A_18 : memref<632x128xf32, #tpu.memory_space<vmem_shared>>) target(%dma_start3A_16 : memref<632x128xf32, #tpu.memory_space<hbm>>) target_semaphore(%run_scoped3A : memref<!tpu.dma_semaphore, #tpu.memory_space<semaphore_mem>>)
      %dma_wait3A = arith.constant 0 : i32
      %dma_wait3A_19 = tpu.memref_slice %arg6[%add3A_15, %dma_wait3A] : memref<20224x128xf32, #tpu.memory_space<hbm>> -> memref<632x128xf32, #tpu.memory_space<hbm>>
      %dma_wait3A_20 = arith.constant 0 : i32
      %dma_wait3A_21 = tpu.memref_slice %arg11[%mul3A_10, %dma_wait3A_20] : memref<10112x128xf32, #tpu.memory_space<vmem_shared>> -> memref<632x128xf32, #tpu.memory_space<vmem_shared>>
      tpu.wait_dma2 semaphore(%run_scoped3A : memref<!tpu.dma_semaphore, #tpu.memory_space<semaphore_mem>>) src(%dma_wait3A_21 : memref<632x128xf32, #tpu.memory_space<vmem_shared>>) dst(%dma_wait3A_19 : memref<632x128xf32, #tpu.memory_space<hbm>>)
      tpu.yield
    }) : () -> ()
    return
  }
}

#map = affine_map<(d0, d1) -> (0, 0)>
#map1 = affine_map<(d0, d1) -> (0, 0, 0)>
module attributes {stable_mosaic.version = 14 : i64} {
  func.func @sc_k(%arg0: i32, %arg1: i32, %arg2: memref<10000x128xf32, #tpu.memory_space<hbm>>, %arg3: memref<32x79x128xi32, #tpu.memory_space<hbm>>, %arg4: memref<32x79x128xi32, #tpu.memory_space<hbm>>, %arg5: memref<632x128xf32, #tpu.memory_space<hbm>>, %arg6: memref<20224x128xf32, #tpu.memory_space<hbm>>, %arg7: memref<79x128xi32, #tpu.memory_space<vmem>>, %arg8: memref<79x128xi32, #tpu.memory_space<vmem>>, %arg9: memref<128x128xf32, #tpu.memory_space<vmem>>, %arg10: memref<!tpu.dma_semaphore, #tpu.memory_space<semaphore_mem>>, %arg11: memref<10112x128xf32, #tpu.memory_space<vmem_shared>>) attributes {dimension_semantics = [#tpu.dimension_semantics<core_parallel>, #tpu.dimension_semantics<subcore_parallel>], iteration_bounds = array<i64: 2, 16>, scalar_prefetch = 0 : i64, scratch_operands = 5 : i64, tpu.core_type = #tpu.core_type<sc_vector_subcore>, window_params = [{transform_indices = #map}, {transform_indices = #map1}, {transform_indices = #map1}, {transform_indices = #map}, {transform_indices = #map}]} {
    %mul3A = arith.constant 16 : i32
    %mul3A_0 = arith.muli %arg0, %mul3A : i32
    %add3A = arith.addi %mul3A_0, %arg1 : i32
    "tpu.region"() ({
      %run_scoped3A = tpu.sem_alloc : memref<!tpu.dma_semaphore, #tpu.memory_space<semaphore_mem>>
      %dma_start3A = arith.constant 0 : i32
      %dma_start3A_16 = arith.constant 0 : i32
      %dma_start3A_17 = tpu.memref_slice %arg3[%add3A, %dma_start3A, %dma_start3A_16] : memref<32x79x128xi32, #tpu.memory_space<hbm>> -> memref<1x79x128xi32, #tpu.memory_space<hbm>>
      %dma_start3A_18 = tpu.memref_squeeze %dma_start3A_17 : memref<1x79x128xi32, #tpu.memory_space<hbm>> -> memref<79x128xi32, #tpu.memory_space<hbm>>
      %dma_start3A_19 = arith.constant 0 : i32
      %dma_start3A_20 = arith.constant 0 : i32
      %dma_start3A_21 = tpu.memref_slice %arg3[%add3A, %dma_start3A_19, %dma_start3A_20] : memref<32x79x128xi32, #tpu.memory_space<hbm>> -> memref<1x79x128xi32, #tpu.memory_space<hbm>>
      %dma_start3A_22 = tpu.memref_squeeze %dma_start3A_21 : memref<1x79x128xi32, #tpu.memory_space<hbm>> -> memref<79x128xi32, #tpu.memory_space<hbm>>
      tpu.enqueue_dma source(%dma_start3A_22 : memref<79x128xi32, #tpu.memory_space<hbm>>) target(%arg7 : memref<79x128xi32, #tpu.memory_space<vmem>>) target_semaphore(%run_scoped3A : memref<!tpu.dma_semaphore, #tpu.memory_space<semaphore_mem>>)
      %dma_wait3A = arith.constant 0 : i32
      %dma_wait3A_23 = arith.constant 0 : i32
      %dma_wait3A_24 = tpu.memref_slice %arg3[%add3A, %dma_wait3A, %dma_wait3A_23] : memref<32x79x128xi32, #tpu.memory_space<hbm>> -> memref<1x79x128xi32, #tpu.memory_space<hbm>>
      %dma_wait3A_25 = tpu.memref_squeeze %dma_wait3A_24 : memref<1x79x128xi32, #tpu.memory_space<hbm>> -> memref<79x128xi32, #tpu.memory_space<hbm>>
      %dma_wait3A_26 = arith.constant 0 : i32
      %dma_wait3A_27 = arith.constant 0 : i32
      %dma_wait3A_28 = tpu.memref_slice %arg3[%add3A, %dma_wait3A_26, %dma_wait3A_27] : memref<32x79x128xi32, #tpu.memory_space<hbm>> -> memref<1x79x128xi32, #tpu.memory_space<hbm>>
      %dma_wait3A_29 = tpu.memref_squeeze %dma_wait3A_28 : memref<1x79x128xi32, #tpu.memory_space<hbm>> -> memref<79x128xi32, #tpu.memory_space<hbm>>
      tpu.wait_dma2 semaphore(%run_scoped3A : memref<!tpu.dma_semaphore, #tpu.memory_space<semaphore_mem>>) src(%dma_wait3A_29 : memref<79x128xi32, #tpu.memory_space<hbm>>) dst(%arg7 : memref<79x128xi32, #tpu.memory_space<vmem>>)
      tpu.yield
    }) : () -> ()
    "tpu.region"() ({
      %run_scoped3A = tpu.sem_alloc : memref<!tpu.dma_semaphore, #tpu.memory_space<semaphore_mem>>
      %dma_start3A = arith.constant 0 : i32
      %dma_start3A_16 = arith.constant 0 : i32
      %dma_start3A_17 = tpu.memref_slice %arg4[%add3A, %dma_start3A, %dma_start3A_16] : memref<32x79x128xi32, #tpu.memory_space<hbm>> -> memref<1x79x128xi32, #tpu.memory_space<hbm>>
      %dma_start3A_18 = tpu.memref_squeeze %dma_start3A_17 : memref<1x79x128xi32, #tpu.memory_space<hbm>> -> memref<79x128xi32, #tpu.memory_space<hbm>>
      %dma_start3A_19 = arith.constant 0 : i32
      %dma_start3A_20 = arith.constant 0 : i32
      %dma_start3A_21 = tpu.memref_slice %arg4[%add3A, %dma_start3A_19, %dma_start3A_20] : memref<32x79x128xi32, #tpu.memory_space<hbm>> -> memref<1x79x128xi32, #tpu.memory_space<hbm>>
      %dma_start3A_22 = tpu.memref_squeeze %dma_start3A_21 : memref<1x79x128xi32, #tpu.memory_space<hbm>> -> memref<79x128xi32, #tpu.memory_space<hbm>>
      tpu.enqueue_dma source(%dma_start3A_22 : memref<79x128xi32, #tpu.memory_space<hbm>>) target(%arg8 : memref<79x128xi32, #tpu.memory_space<vmem>>) target_semaphore(%run_scoped3A : memref<!tpu.dma_semaphore, #tpu.memory_space<semaphore_mem>>)
      %dma_wait3A = arith.constant 0 : i32
      %dma_wait3A_23 = arith.constant 0 : i32
      %dma_wait3A_24 = tpu.memref_slice %arg4[%add3A, %dma_wait3A, %dma_wait3A_23] : memref<32x79x128xi32, #tpu.memory_space<hbm>> -> memref<1x79x128xi32, #tpu.memory_space<hbm>>
      %dma_wait3A_25 = tpu.memref_squeeze %dma_wait3A_24 : memref<1x79x128xi32, #tpu.memory_space<hbm>> -> memref<79x128xi32, #tpu.memory_space<hbm>>
      %dma_wait3A_26 = arith.constant 0 : i32
      %dma_wait3A_27 = arith.constant 0 : i32
      %dma_wait3A_28 = tpu.memref_slice %arg4[%add3A, %dma_wait3A_26, %dma_wait3A_27] : memref<32x79x128xi32, #tpu.memory_space<hbm>> -> memref<1x79x128xi32, #tpu.memory_space<hbm>>
      %dma_wait3A_29 = tpu.memref_squeeze %dma_wait3A_28 : memref<1x79x128xi32, #tpu.memory_space<hbm>> -> memref<79x128xi32, #tpu.memory_space<hbm>>
      tpu.wait_dma2 semaphore(%run_scoped3A : memref<!tpu.dma_semaphore, #tpu.memory_space<semaphore_mem>>) src(%dma_wait3A_29 : memref<79x128xi32, #tpu.memory_space<hbm>>) dst(%arg8 : memref<79x128xi32, #tpu.memory_space<vmem>>)
      tpu.yield
    }) : () -> ()
    %mul3A_1 = arith.constant 632 : i32
    %mul3A_2 = arith.muli %arg1, %mul3A_1 : i32
    "tpu.region"() ({
      %run_scoped3A = tpu.sem_alloc : memref<!tpu.dma_semaphore, #tpu.memory_space<semaphore_mem>>
      %dma_start3A = arith.constant 0 : i32
      %dma_start3A_16 = tpu.memref_slice %arg11[%mul3A_2, %dma_start3A] : memref<10112x128xf32, #tpu.memory_space<vmem_shared>> -> memref<632x128xf32, #tpu.memory_space<vmem_shared>>
      tpu.enqueue_dma source(%arg5 : memref<632x128xf32, #tpu.memory_space<hbm>>) target(%dma_start3A_16 : memref<632x128xf32, #tpu.memory_space<vmem_shared>>) target_semaphore(%run_scoped3A : memref<!tpu.dma_semaphore, #tpu.memory_space<semaphore_mem>>)
      %dma_wait3A = arith.constant 0 : i32
      %dma_wait3A_17 = tpu.memref_slice %arg11[%mul3A_2, %dma_wait3A] : memref<10112x128xf32, #tpu.memory_space<vmem_shared>> -> memref<632x128xf32, #tpu.memory_space<vmem_shared>>
      tpu.wait_dma2 semaphore(%run_scoped3A : memref<!tpu.dma_semaphore, #tpu.memory_space<semaphore_mem>>) src(%arg5 : memref<632x128xf32, #tpu.memory_space<hbm>>) dst(%dma_wait3A_17 : memref<632x128xf32, #tpu.memory_space<vmem_shared>>)
      tpu.yield
    }) : () -> ()
    %barrier3A = arith.constant 0 : index
    tpu.barrier barrier_id(%barrier3A)
    %scan3A = arith.constant 0 : i32
    %scan3A_3 = arith.constant 0 : i32
    %scan3A_4 = arith.constant 79 : i32
    %scan3A_5 = arith.addi %scan3A_3, %scan3A_4 : i32
    %scan3A_6 = arith.constant 1 : i32
    scf.for %scan3A_16 = %scan3A_3 to %scan3A_5 step %scan3A_6  : i32 {
      %dma_start3A = arith.constant 0 : i32
      %dma_start3A_17 = tpu.memref_slice %arg7[%scan3A_16, %dma_start3A] : memref<79x128xi32, #tpu.memory_space<vmem>> -> memref<1x128xi32, #tpu.memory_space<vmem>>
      %dma_start3A_18 = tpu.memref_squeeze %dma_start3A_17 : memref<1x128xi32, #tpu.memory_space<vmem>> -> memref<128xi32, #tpu.memory_space<vmem>>
      %dma_start3A_19 = arith.constant 0 : i32
      %dma_start3A_20 = arith.constant 0 : i32
      %dma_start3A_21 = tpu.memref_slice %arg2[%dma_start3A_19, %dma_start3A_20] : memref<10000x128xf32, #tpu.memory_space<hbm>> -> memref<10000x128xf32, #tpu.memory_space<hbm>>
      tpu.enqueue_indirect_dma source(%dma_start3A_21 : memref<10000x128xf32, #tpu.memory_space<hbm>>) target(%arg9 : memref<128x128xf32, #tpu.memory_space<vmem>>) offsets(%dma_start3A_18 : memref<128xi32, #tpu.memory_space<vmem>>) semaphore(%arg10 : memref<!tpu.dma_semaphore, #tpu.memory_space<semaphore_mem>>)
      %dma_wait3A = arith.constant 0 : i32
      %dma_wait3A_22 = tpu.memref_slice %arg7[%scan3A_16, %dma_wait3A] : memref<79x128xi32, #tpu.memory_space<vmem>> -> memref<1x128xi32, #tpu.memory_space<vmem>>
      %dma_wait3A_23 = tpu.memref_squeeze %dma_wait3A_22 : memref<1x128xi32, #tpu.memory_space<vmem>> -> memref<128xi32, #tpu.memory_space<vmem>>
      %dma_wait3A_24 = arith.constant 0 : i32
      %dma_wait3A_25 = arith.constant 0 : i32
      %dma_wait3A_26 = tpu.memref_slice %arg2[%dma_wait3A_24, %dma_wait3A_25] : memref<10000x128xf32, #tpu.memory_space<hbm>> -> memref<10000x128xf32, #tpu.memory_space<hbm>>
      tpu.wait_indirect_dma semaphore(%arg10 : memref<!tpu.dma_semaphore, #tpu.memory_space<semaphore_mem>>) src(%dma_wait3A_26 : memref<10000x128xf32, #tpu.memory_space<hbm>>) dst(%arg9 : memref<128x128xf32, #tpu.memory_space<vmem>>)
      "tpu.region"() ({
        %run_scoped3A = tpu.sem_alloc : memref<!tpu.dma_semaphore, #tpu.memory_space<semaphore_mem>>
        %dma_start3A_27 = arith.constant 0 : i32
        %dma_start3A_28 = tpu.memref_slice %arg8[%scan3A_16, %dma_start3A_27] : memref<79x128xi32, #tpu.memory_space<vmem>> -> memref<1x128xi32, #tpu.memory_space<vmem>>
        %dma_start3A_29 = tpu.memref_squeeze %dma_start3A_28 : memref<1x128xi32, #tpu.memory_space<vmem>> -> memref<128xi32, #tpu.memory_space<vmem>>
        %dma_start3A_30 = arith.constant 0 : i32
        %dma_start3A_31 = arith.constant 0 : i32
        %dma_start3A_32 = tpu.memref_slice %arg11[%dma_start3A_30, %dma_start3A_31] : memref<10112x128xf32, #tpu.memory_space<vmem_shared>> -> memref<10112x128xf32, #tpu.memory_space<vmem_shared>>
        tpu.enqueue_indirect_dma source(%arg9 : memref<128x128xf32, #tpu.memory_space<vmem>>) target(%dma_start3A_32 : memref<10112x128xf32, #tpu.memory_space<vmem_shared>>) offsets(%dma_start3A_29 : memref<128xi32, #tpu.memory_space<vmem>>) semaphore(%run_scoped3A : memref<!tpu.dma_semaphore, #tpu.memory_space<semaphore_mem>>) {add = true}
        %dma_wait3A_33 = arith.constant 0 : i32
        %dma_wait3A_34 = tpu.memref_slice %arg8[%scan3A_16, %dma_wait3A_33] : memref<79x128xi32, #tpu.memory_space<vmem>> -> memref<1x128xi32, #tpu.memory_space<vmem>>
        %dma_wait3A_35 = tpu.memref_squeeze %dma_wait3A_34 : memref<1x128xi32, #tpu.memory_space<vmem>> -> memref<128xi32, #tpu.memory_space<vmem>>
        %dma_wait3A_36 = arith.constant 0 : i32
        %dma_wait3A_37 = arith.constant 0 : i32
        %dma_wait3A_38 = tpu.memref_slice %arg11[%dma_wait3A_36, %dma_wait3A_37] : memref<10112x128xf32, #tpu.memory_space<vmem_shared>> -> memref<10112x128xf32, #tpu.memory_space<vmem_shared>>
        tpu.wait_indirect_dma semaphore(%run_scoped3A : memref<!tpu.dma_semaphore, #tpu.memory_space<semaphore_mem>>) src(%arg9 : memref<128x128xf32, #tpu.memory_space<vmem>>) dst(%dma_wait3A_38 : memref<10112x128xf32, #tpu.memory_space<vmem_shared>>)
        tpu.yield
      }) : () -> ()
    }
    %scan3A_7 = arith.constant 79 : i32
    %barrier3A_8 = arith.constant 0 : index
    tpu.barrier barrier_id(%barrier3A_8)
    %mul3A_9 = arith.constant 632 : i32
    %mul3A_10 = arith.muli %arg1, %mul3A_9 : i32
    %mul3A_11 = arith.constant 10112 : i32
    %mul3A_12 = arith.muli %arg0, %mul3A_11 : i32
    %mul3A_13 = arith.constant 632 : i32
    %mul3A_14 = arith.muli %arg1, %mul3A_13 : i32
    %add3A_15 = arith.addi %mul3A_12, %mul3A_14 : i32
    "tpu.region"() ({
      %run_scoped3A = tpu.sem_alloc : memref<!tpu.dma_semaphore, #tpu.memory_space<semaphore_mem>>
      %dma_start3A = arith.constant 0 : i32
      %dma_start3A_16 = tpu.memref_slice %arg6[%add3A_15, %dma_start3A] : memref<20224x128xf32, #tpu.memory_space<hbm>> -> memref<632x128xf32, #tpu.memory_space<hbm>>
      %dma_start3A_17 = arith.constant 0 : i32
      %dma_start3A_18 = tpu.memref_slice %arg11[%mul3A_10, %dma_start3A_17] : memref<10112x128xf32, #tpu.memory_space<vmem_shared>> -> memref<632x128xf32, #tpu.memory_space<vmem_shared>>
      tpu.enqueue_dma source(%dma_start3A_18 : memref<632x128xf32, #tpu.memory_space<vmem_shared>>) target(%dma_start3A_16 : memref<632x128xf32, #tpu.memory_space<hbm>>) target_semaphore(%run_scoped3A : memref<!tpu.dma_semaphore, #tpu.memory_space<semaphore_mem>>)
      %dma_wait3A = arith.constant 0 : i32
      %dma_wait3A_19 = tpu.memref_slice %arg6[%add3A_15, %dma_wait3A] : memref<20224x128xf32, #tpu.memory_space<hbm>> -> memref<632x128xf32, #tpu.memory_space<hbm>>
      %dma_wait3A_20 = arith.constant 0 : i32
      %dma_wait3A_21 = tpu.memref_slice %arg11[%mul3A_10, %dma_wait3A_20] : memref<10112x128xf32, #tpu.memory_space<vmem_shared>> -> memref<632x128xf32, #tpu.memory_space<vmem_shared>>
      tpu.wait_dma2 semaphore(%run_scoped3A : memref<!tpu.dma_semaphore, #tpu.memory_space<semaphore_mem>>) src(%dma_wait3A_21 : memref<632x128xf32, #tpu.memory_space<vmem_shared>>) dst(%dma_wait3A_19 : memref<632x128xf32, #tpu.memory_space<hbm>>)
      tpu.yield
    }) : () -> ()
    return
  }
}

module attributes {stable_mosaic.version = 14 : i64} {
  func.func @k(%arg0: i32, %arg1: memref<400x128xf32, #tpu.memory_space<vmem>>, %arg2: memref<400x128xf32, #tpu.memory_space<vmem>>, %arg3: memref<400x1xf32, #tpu.memory_space<vmem>>) attributes {dimension_semantics = [#tpu.dimension_semantics<arbitrary>], iteration_bounds = array<i64: 25>, scalar_prefetch = 0 : i64, scratch_operands = 0 : i64, tpu.core_type = #tpu.core_type<tc>, window_params = [{transform_indices = @transform_0, window_bounds = array<i64: 400, 128>}, {transform_indices = @transform_1, window_bounds = array<i64: 400, 128>}, {transform_indices = @transform_2, window_bounds = array<i64: 400, 1>}]} {
    %get3A = arith.constant 0 : index
    %get3A_0 = arith.constant 0 : index
    %get3A_1 = vector.load %arg1[%get3A, %get3A_0] : memref<400x128xf32, #tpu.memory_space<vmem>>, vector<400x1xf32>
    %get3A_2 = arith.constant 0 : index
    %get3A_3 = arith.constant 0 : index
    %get3A_4 = vector.load %arg2[%get3A_2, %get3A_3] : memref<400x128xf32, #tpu.memory_space<vmem>>, vector<400x1xf32>
    %add3A = arith.addf %get3A_1, %get3A_4 : vector<400x1xf32>
    %add3A_5 = arith.constant 1.000000e+00 : f32
    %add3A_6 = vector.broadcast %add3A_5 : f32 to vector<400x1xf32>
    %add3A_7 = arith.addf %add3A, %add3A_6 : vector<400x1xf32>
    %rsqrt3A = math.rsqrt %add3A_7 : vector<400x1xf32>
    %swap3A = arith.constant 0 : index
    %swap3A_8 = arith.constant 0 : index
    %swap3A_9 = vector.load %arg3[%swap3A, %swap3A_8] : memref<400x1xf32, #tpu.memory_space<vmem>>, vector<400x1xf32>
    tpu.vector_store %arg3[%swap3A, %swap3A_8], %rsqrt3A {strides = array<i32>} : memref<400x1xf32, #tpu.memory_space<vmem>>, vector<400x1xf32>,
    return
  }
  func.func @transform_0(%arg0: i32) -> (i32, i32) {
    %c0_i32 = arith.constant 0 : i32
    %c0_i32_0 = arith.constant 0 : i32
    return %arg0, %c0_i32 : i32, i32
  }
  func.func @transform_1(%arg0: i32) -> (i32, i32) {
    %c0_i32 = arith.constant 0 : i32
    %c0_i32_0 = arith.constant 0 : i32
    return %arg0, %c0_i32 : i32, i32
  }
  func.func @transform_2(%arg0: i32) -> (i32, i32) {
    %c0_i32 = arith.constant 0 : i32
    %c0_i32_0 = arith.constant 0 : i32
    return %arg0, %c0_i32 : i32, i32
  }
}

module attributes {stable_mosaic.version = 14 : i64} {
  func.func @k(%arg0: i32, %arg1: memref<400x128xf32, #tpu.memory_space<vmem>>, %arg2: memref<128x128xf32, #tpu.memory_space<vmem>>, %arg3: memref<400x1xf32, #tpu.memory_space<vmem>>, %arg4: memref<400x128xf32, #tpu.memory_space<vmem>>) attributes {dimension_semantics = [#tpu.dimension_semantics<arbitrary>], iteration_bounds = array<i64: 25>, scalar_prefetch = 0 : i64, scratch_operands = 0 : i64, tpu.core_type = #tpu.core_type<tc>, window_params = [{transform_indices = @transform_0, window_bounds = array<i64: 400, 128>}, {pipeline_mode = #tpu.pipeline_mode<synchronous>, transform_indices = @transform_1, window_bounds = array<i64: 128, 128>}, {transform_indices = @transform_2, window_bounds = array<i64: 400, 1>}, {transform_indices = @transform_3, window_bounds = array<i64: 400, 128>}]} {
    %get3A = arith.constant 0 : index
    %get3A_0 = arith.constant 0 : index
    %get3A_1 = vector.load %arg1[%get3A, %get3A_0] : memref<400x128xf32, #tpu.memory_space<vmem>>, vector<400x128xf32>
    %get3A_2 = arith.constant 0 : index
    %get3A_3 = arith.constant 0 : index
    %get3A_4 = vector.load %arg2[%get3A_2, %get3A_3] : memref<128x128xf32, #tpu.memory_space<vmem>>, vector<128x128xf32>
    %dot_general3A = arith.constant dense<0.000000e+00> : vector<400x128xf32>
    %dot_general3A_5 = tpu.matmul %get3A_1, %get3A_4, %dot_general3A {dimension_numbers = #tpu.dot_dimension_numbers<[1], [0], [0], [1], [0, 0, 1, 1], [], []>, precision = #tpu.contract_precision<fp32>, transpose_lhs_hint = false} : vector<400x128xf32>, vector<128x128xf32>, vector<400x128xf32> -> vector<400x128xf32>
    %get3A_6 = arith.constant 0 : index
    %get3A_7 = arith.constant 0 : index
    %get3A_8 = vector.load %arg3[%get3A_6, %get3A_7] : memref<400x1xf32, #tpu.memory_space<vmem>>, vector<400x1xf32>
    %mul3A = vector.broadcast %get3A_8 : vector<400x1xf32> to vector<400x128xf32>
    %mul3A_9 = arith.mulf %dot_general3A_5, %mul3A : vector<400x128xf32>
    %swap3A = arith.constant 0 : index
    %swap3A_10 = arith.constant 0 : index
    %swap3A_11 = vector.load %arg4[%swap3A, %swap3A_10] : memref<400x128xf32, #tpu.memory_space<vmem>>, vector<400x128xf32>
    tpu.vector_store %arg4[%swap3A, %swap3A_10], %mul3A_9 {strides = array<i32>} : memref<400x128xf32, #tpu.memory_space<vmem>>, vector<400x128xf32>,
    return
  }
  func.func @transform_0(%arg0: i32) -> (i32, i32) {
    %c0_i32 = arith.constant 0 : i32
    %c0_i32_0 = arith.constant 0 : i32
    return %arg0, %c0_i32 : i32, i32
  }
  func.func @transform_1(%arg0: i32) -> (i32, i32) {
    %c0_i32 = arith.constant 0 : i32
    %c0_i32_0 = arith.constant 0 : i32
    %c0_i32_1 = arith.constant 0 : i32
    return %c0_i32, %c0_i32_0 : i32, i32
  }
  func.func @transform_2(%arg0: i32) -> (i32, i32) {
    %c0_i32 = arith.constant 0 : i32
    %c0_i32_0 = arith.constant 0 : i32
    return %arg0, %c0_i32 : i32, i32
  }
  func.func @transform_3(%arg0: i32) -> (i32, i32) {
    %c0_i32 = arith.constant 0 : i32
    %c0_i32_0 = arith.constant 0 : i32
    return %arg0, %c0_i32 : i32, i32
  }
}

module attributes {stable_mosaic.version = 14 : i64} {
  func.func @k(%arg0: i32, %arg1: memref<400x128xf32, #tpu.memory_space<vmem>>, %arg2: memref<400x128xf32, #tpu.memory_space<vmem>>, %arg3: memref<400x128xf32, #tpu.memory_space<vmem>>, %arg4: memref<400x1xf32, #tpu.memory_space<vmem>>, %arg5: memref<1x128xf32, #tpu.memory_space<vmem>>, %arg6: memref<1x128xf32, #tpu.memory_space<vmem>>, %arg7: memref<1x128xf32, #tpu.memory_space<vmem>>, %arg8: memref<400x128xf32, #tpu.memory_space<vmem>>, %arg9: memref<400x128xf32, #tpu.memory_space<vmem>>) attributes {dimension_semantics = [#tpu.dimension_semantics<arbitrary>], iteration_bounds = array<i64: 25>, scalar_prefetch = 0 : i64, scratch_operands = 0 : i64, tpu.core_type = #tpu.core_type<tc>, window_params = [{transform_indices = @transform_0, window_bounds = array<i64: 400, 128>}, {transform_indices = @transform_1, window_bounds = array<i64: 400, 128>}, {transform_indices = @transform_2, window_bounds = array<i64: 400, 128>}, {transform_indices = @transform_3, window_bounds = array<i64: 400, 1>}, {pipeline_mode = #tpu.pipeline_mode<synchronous>, transform_indices = @transform_4, window_bounds = array<i64: 1, 128>}, {pipeline_mode = #tpu.pipeline_mode<synchronous>, transform_indices = @transform_5, window_bounds = array<i64: 1, 128>}, {pipeline_mode = #tpu.pipeline_mode<synchronous>, transform_indices = @transform_6, window_bounds = array<i64: 1, 128>}, {transform_indices = @transform_7, window_bounds = array<i64: 400, 128>}, {transform_indices = @transform_8, window_bounds = array<i64: 400, 128>}]} {
    %get3A = arith.constant 0 : index
    %get3A_0 = arith.constant 0 : index
    %get3A_1 = vector.load %arg4[%get3A, %get3A_0] : memref<400x1xf32, #tpu.memory_space<vmem>>, vector<400x1xf32>
    %get3A_2 = arith.constant 0 : index
    %get3A_3 = arith.constant 0 : index
    %get3A_4 = vector.load %arg1[%get3A_2, %get3A_3] : memref<400x128xf32, #tpu.memory_space<vmem>>, vector<400x128xf32>
    %get3A_5 = arith.constant 0 : index
    %get3A_6 = arith.constant 0 : index
    %get3A_7 = vector.load %arg2[%get3A_5, %get3A_6] : memref<400x128xf32, #tpu.memory_space<vmem>>, vector<400x128xf32>
    %add3A = arith.addf %get3A_4, %get3A_7 : vector<400x128xf32>
    %get3A_8 = arith.constant 0 : index
    %get3A_9 = arith.constant 0 : index
    %get3A_10 = vector.load %arg3[%get3A_8, %get3A_9] : memref<400x128xf32, #tpu.memory_space<vmem>>, vector<400x128xf32>
    %add3A_11 = arith.addf %add3A, %get3A_10 : vector<400x128xf32>
    %mul3A = vector.broadcast %get3A_1 : vector<400x1xf32> to vector<400x128xf32>
    %mul3A_12 = arith.mulf %mul3A, %add3A_11 : vector<400x128xf32>
    %get3A_13 = arith.constant 0 : index
    %get3A_14 = arith.constant 0 : index
    %get3A_15 = vector.load %arg5[%get3A_13, %get3A_14] : memref<1x128xf32, #tpu.memory_space<vmem>>, vector<1x128xf32>
    %add3A_16 = vector.broadcast %get3A_15 : vector<1x128xf32> to vector<400x128xf32>
    %add3A_17 = arith.addf %mul3A_12, %add3A_16 : vector<400x128xf32>
    %reduce_sum3A = arith.constant dense<0.000000e+00> : vector<400xf32>
    %reduce_sum3A_18 = vector.multi_reduction <add>, %add3A_17, %reduce_sum3A [1] : vector<400x128xf32> to vector<400xf32>
    %broadcast_in_dim3A = vector.shape_cast %reduce_sum3A_18 : vector<400xf32> to vector<400x1xf32>
    %div3A = arith.constant 1.280000e+02 : f32
    %div3A_19 = vector.broadcast %div3A : f32 to vector<400x1xf32>
    %div3A_20 = arith.divf %broadcast_in_dim3A, %div3A_19 : vector<400x1xf32>
    %sub3A = vector.broadcast %div3A_20 : vector<400x1xf32> to vector<400x128xf32>
    %sub3A_21 = arith.subf %add3A_17, %sub3A : vector<400x128xf32>
    %mul3A_22 = arith.mulf %sub3A_21, %sub3A_21 : vector<400x128xf32>
    %reduce_sum3A_23 = arith.constant dense<0.000000e+00> : vector<400xf32>
    %reduce_sum3A_24 = vector.multi_reduction <add>, %mul3A_22, %reduce_sum3A_23 [1] : vector<400x128xf32> to vector<400xf32>
    %broadcast_in_dim3A_25 = vector.shape_cast %reduce_sum3A_24 : vector<400xf32> to vector<400x1xf32>
    %div3A_26 = arith.constant 1.280000e+02 : f32
    %div3A_27 = vector.broadcast %div3A_26 : f32 to vector<400x1xf32>
    %div3A_28 = arith.divf %broadcast_in_dim3A_25, %div3A_27 : vector<400x1xf32>
    %add3A_29 = arith.constant 9.99999974E-6 : f32
    %add3A_30 = vector.broadcast %add3A_29 : f32 to vector<400x1xf32>
    %add3A_31 = arith.addf %div3A_28, %add3A_30 : vector<400x1xf32>
    %rsqrt3A = math.rsqrt %add3A_31 : vector<400x1xf32>
    %mul3A_32 = vector.broadcast %rsqrt3A : vector<400x1xf32> to vector<400x128xf32>
    %mul3A_33 = arith.mulf %sub3A_21, %mul3A_32 : vector<400x128xf32>
    %get3A_34 = arith.constant 0 : index
    %get3A_35 = arith.constant 0 : index
    %get3A_36 = vector.load %arg6[%get3A_34, %get3A_35] : memref<1x128xf32, #tpu.memory_space<vmem>>, vector<1x128xf32>
    %mul3A_37 = vector.broadcast %get3A_36 : vector<1x128xf32> to vector<400x128xf32>
    %mul3A_38 = arith.mulf %mul3A_33, %mul3A_37 : vector<400x128xf32>
    %get3A_39 = arith.constant 0 : index
    %get3A_40 = arith.constant 0 : index
    %get3A_41 = vector.load %arg7[%get3A_39, %get3A_40] : memref<1x128xf32, #tpu.memory_space<vmem>>, vector<1x128xf32>
    %add3A_42 = vector.broadcast %get3A_41 : vector<1x128xf32> to vector<400x128xf32>
    %add3A_43 = arith.addf %mul3A_38, %add3A_42 : vector<400x128xf32>
    %get3A_44 = arith.constant 0 : index
    %get3A_45 = arith.constant 0 : index
    %get3A_46 = vector.load %arg8[%get3A_44, %get3A_45] : memref<400x128xf32, #tpu.memory_space<vmem>>, vector<400x128xf32>
    %max3A = arith.constant 0.000000e+00 : f32
    %max3A_47 = vector.broadcast %max3A : f32 to vector<400x128xf32>
    %max3A_48 = arith.maximumf %add3A_43, %max3A_47 : vector<400x128xf32>
    %add3A_49 = arith.addf %get3A_46, %max3A_48 : vector<400x128xf32>
    %swap3A = arith.constant 0 : index
    %swap3A_50 = arith.constant 0 : index
    %swap3A_51 = vector.load %arg9[%swap3A, %swap3A_50] : memref<400x128xf32, #tpu.memory_space<vmem>>, vector<400x128xf32>
    tpu.vector_store %arg9[%swap3A, %swap3A_50], %add3A_49 {strides = array<i32>} : memref<400x128xf32, #tpu.memory_space<vmem>>, vector<400x128xf32>,
    return
  }
  func.func @transform_0(%arg0: i32) -> (i32, i32) {
    %c0_i32 = arith.constant 0 : i32
    %c0_i32_0 = arith.constant 0 : i32
    return %arg0, %c0_i32 : i32, i32
  }
  func.func @transform_1(%arg0: i32) -> (i32, i32) {
    %c0_i32 = arith.constant 0 : i32
    %c0_i32_0 = arith.constant 0 : i32
    return %arg0, %c0_i32 : i32, i32
  }
  func.func @transform_2(%arg0: i32) -> (i32, i32) {
    %c0_i32 = arith.constant 0 : i32
    %c0_i32_0 = arith.constant 0 : i32
    return %arg0, %c0_i32 : i32, i32
  }
  func.func @transform_3(%arg0: i32) -> (i32, i32) {
    %c0_i32 = arith.constant 0 : i32
    %c0_i32_0 = arith.constant 0 : i32
    return %arg0, %c0_i32 : i32, i32
  }
  func.func @transform_4(%arg0: i32) -> (i32, i32) {
    %c0_i32 = arith.constant 0 : i32
    %c0_i32_0 = arith.constant 0 : i32
    %c0_i32_1 = arith.constant 0 : i32
    return %c0_i32, %c0_i32_0 : i32, i32
  }
  func.func @transform_5(%arg0: i32) -> (i32, i32) {
    %c0_i32 = arith.constant 0 : i32
    %c0_i32_0 = arith.constant 0 : i32
    %c0_i32_1 = arith.constant 0 : i32
    return %c0_i32, %c0_i32_0 : i32, i32
  }
  func.func @transform_6(%arg0: i32) -> (i32, i32) {
    %c0_i32 = arith.constant 0 : i32
    %c0_i32_0 = arith.constant 0 : i32
    %c0_i32_1 = arith.constant 0 : i32
    return %c0_i32, %c0_i32_0 : i32, i32
  }
  func.func @transform_7(%arg0: i32) -> (i32, i32) {
    %c0_i32 = arith.constant 0 : i32
    %c0_i32_0 = arith.constant 0 : i32
    return %arg0, %c0_i32 : i32, i32
  }
  func.func @transform_8(%arg0: i32) -> (i32, i32) {
    %c0_i32 = arith.constant 0 : i32
    %c0_i32_0 = arith.constant 0 : i32
    return %arg0, %c0_i32 : i32, i32
  }
}

module attributes {stable_mosaic.version = 14 : i64} {
  func.func @k(%arg0: i32, %arg1: memref<400x128xf32, #tpu.memory_space<vmem>>, %arg2: memref<400x128xf32, #tpu.memory_space<vmem>>, %arg3: memref<400x128xf32, #tpu.memory_space<vmem>>, %arg4: memref<400x1xf32, #tpu.memory_space<vmem>>, %arg5: memref<1x128xf32, #tpu.memory_space<vmem>>, %arg6: memref<1x128xf32, #tpu.memory_space<vmem>>, %arg7: memref<1x128xf32, #tpu.memory_space<vmem>>, %arg8: memref<400x128xf32, #tpu.memory_space<vmem>>, %arg9: memref<400x128xf32, #tpu.memory_space<vmem>>) attributes {dimension_semantics = [#tpu.dimension_semantics<arbitrary>], iteration_bounds = array<i64: 25>, scalar_prefetch = 0 : i64, scratch_operands = 0 : i64, tpu.core_type = #tpu.core_type<tc>, window_params = [{transform_indices = @transform_0, window_bounds = array<i64: 400, 128>}, {transform_indices = @transform_1, window_bounds = array<i64: 400, 128>}, {transform_indices = @transform_2, window_bounds = array<i64: 400, 128>}, {transform_indices = @transform_3, window_bounds = array<i64: 400, 1>}, {pipeline_mode = #tpu.pipeline_mode<synchronous>, transform_indices = @transform_4, window_bounds = array<i64: 1, 128>}, {pipeline_mode = #tpu.pipeline_mode<synchronous>, transform_indices = @transform_5, window_bounds = array<i64: 1, 128>}, {pipeline_mode = #tpu.pipeline_mode<synchronous>, transform_indices = @transform_6, window_bounds = array<i64: 1, 128>}, {transform_indices = @transform_7, window_bounds = array<i64: 400, 128>}, {transform_indices = @transform_8, window_bounds = array<i64: 400, 128>}]} {
    %get3A = arith.constant 0 : index
    %get3A_0 = arith.constant 0 : index
    %get3A_1 = vector.load %arg4[%get3A, %get3A_0] : memref<400x1xf32, #tpu.memory_space<vmem>>, vector<400x1xf32>
    %get3A_2 = arith.constant 0 : index
    %get3A_3 = arith.constant 0 : index
    %get3A_4 = vector.load %arg1[%get3A_2, %get3A_3] : memref<400x128xf32, #tpu.memory_space<vmem>>, vector<400x128xf32>
    %get3A_5 = arith.constant 0 : index
    %get3A_6 = arith.constant 0 : index
    %get3A_7 = vector.load %arg2[%get3A_5, %get3A_6] : memref<400x128xf32, #tpu.memory_space<vmem>>, vector<400x128xf32>
    %add3A = arith.addf %get3A_4, %get3A_7 : vector<400x128xf32>
    %get3A_8 = arith.constant 0 : index
    %get3A_9 = arith.constant 0 : index
    %get3A_10 = vector.load %arg3[%get3A_8, %get3A_9] : memref<400x128xf32, #tpu.memory_space<vmem>>, vector<400x128xf32>
    %add3A_11 = arith.addf %add3A, %get3A_10 : vector<400x128xf32>
    %mul3A = vector.broadcast %get3A_1 : vector<400x1xf32> to vector<400x128xf32>
    %mul3A_12 = arith.mulf %mul3A, %add3A_11 : vector<400x128xf32>
    %get3A_13 = arith.constant 0 : index
    %get3A_14 = arith.constant 0 : index
    %get3A_15 = vector.load %arg5[%get3A_13, %get3A_14] : memref<1x128xf32, #tpu.memory_space<vmem>>, vector<1x128xf32>
    %add3A_16 = vector.broadcast %get3A_15 : vector<1x128xf32> to vector<400x128xf32>
    %add3A_17 = arith.addf %mul3A_12, %add3A_16 : vector<400x128xf32>
    %reduce_sum3A = arith.constant dense<0.000000e+00> : vector<400xf32>
    %reduce_sum3A_18 = vector.multi_reduction <add>, %add3A_17, %reduce_sum3A [1] : vector<400x128xf32> to vector<400xf32>
    %broadcast_in_dim3A = vector.shape_cast %reduce_sum3A_18 : vector<400xf32> to vector<400x1xf32>
    %div3A = arith.constant 1.280000e+02 : f32
    %div3A_19 = vector.broadcast %div3A : f32 to vector<400x1xf32>
    %div3A_20 = arith.divf %broadcast_in_dim3A, %div3A_19 : vector<400x1xf32>
    %sub3A = vector.broadcast %div3A_20 : vector<400x1xf32> to vector<400x128xf32>
    %sub3A_21 = arith.subf %add3A_17, %sub3A : vector<400x128xf32>
    %mul3A_22 = arith.mulf %sub3A_21, %sub3A_21 : vector<400x128xf32>
    %reduce_sum3A_23 = arith.constant dense<0.000000e+00> : vector<400xf32>
    %reduce_sum3A_24 = vector.multi_reduction <add>, %mul3A_22, %reduce_sum3A_23 [1] : vector<400x128xf32> to vector<400xf32>
    %broadcast_in_dim3A_25 = vector.shape_cast %reduce_sum3A_24 : vector<400xf32> to vector<400x1xf32>
    %div3A_26 = arith.constant 1.280000e+02 : f32
    %div3A_27 = vector.broadcast %div3A_26 : f32 to vector<400x1xf32>
    %div3A_28 = arith.divf %broadcast_in_dim3A_25, %div3A_27 : vector<400x1xf32>
    %add3A_29 = arith.constant 9.99999974E-6 : f32
    %add3A_30 = vector.broadcast %add3A_29 : f32 to vector<400x1xf32>
    %add3A_31 = arith.addf %div3A_28, %add3A_30 : vector<400x1xf32>
    %rsqrt3A = math.rsqrt %add3A_31 : vector<400x1xf32>
    %mul3A_32 = vector.broadcast %rsqrt3A : vector<400x1xf32> to vector<400x128xf32>
    %mul3A_33 = arith.mulf %sub3A_21, %mul3A_32 : vector<400x128xf32>
    %get3A_34 = arith.constant 0 : index
    %get3A_35 = arith.constant 0 : index
    %get3A_36 = vector.load %arg6[%get3A_34, %get3A_35] : memref<1x128xf32, #tpu.memory_space<vmem>>, vector<1x128xf32>
    %mul3A_37 = vector.broadcast %get3A_36 : vector<1x128xf32> to vector<400x128xf32>
    %mul3A_38 = arith.mulf %mul3A_33, %mul3A_37 : vector<400x128xf32>
    %get3A_39 = arith.constant 0 : index
    %get3A_40 = arith.constant 0 : index
    %get3A_41 = vector.load %arg7[%get3A_39, %get3A_40] : memref<1x128xf32, #tpu.memory_space<vmem>>, vector<1x128xf32>
    %add3A_42 = vector.broadcast %get3A_41 : vector<1x128xf32> to vector<400x128xf32>
    %add3A_43 = arith.addf %mul3A_38, %add3A_42 : vector<400x128xf32>
    %get3A_44 = arith.constant 0 : index
    %get3A_45 = arith.constant 0 : index
    %get3A_46 = vector.load %arg8[%get3A_44, %get3A_45] : memref<400x128xf32, #tpu.memory_space<vmem>>, vector<400x128xf32>
    %max3A = arith.constant 0.000000e+00 : f32
    %max3A_47 = vector.broadcast %max3A : f32 to vector<400x128xf32>
    %max3A_48 = arith.maximumf %add3A_43, %max3A_47 : vector<400x128xf32>
    %add3A_49 = arith.addf %get3A_46, %max3A_48 : vector<400x128xf32>
    %swap3A = arith.constant 0 : index
    %swap3A_50 = arith.constant 0 : index
    %swap3A_51 = vector.load %arg9[%swap3A, %swap3A_50] : memref<400x128xf32, #tpu.memory_space<vmem>>, vector<400x128xf32>
    tpu.vector_store %arg9[%swap3A, %swap3A_50], %add3A_49 {strides = array<i32>} : memref<400x128xf32, #tpu.memory_space<vmem>>, vector<400x128xf32>,
    return
  }
  func.func @transform_0(%arg0: i32) -> (i32, i32) {
    %c0_i32 = arith.constant 0 : i32
    %c0_i32_0 = arith.constant 0 : i32
    return %arg0, %c0_i32 : i32, i32
  }
  func.func @transform_1(%arg0: i32) -> (i32, i32) {
    %c0_i32 = arith.constant 0 : i32
    %c0_i32_0 = arith.constant 0 : i32
    return %arg0, %c0_i32 : i32, i32
  }
  func.func @transform_2(%arg0: i32) -> (i32, i32) {
    %c0_i32 = arith.constant 0 : i32
    %c0_i32_0 = arith.constant 0 : i32
    return %arg0, %c0_i32 : i32, i32
  }
  func.func @transform_3(%arg0: i32) -> (i32, i32) {
    %c0_i32 = arith.constant 0 : i32
    %c0_i32_0 = arith.constant 0 : i32
    return %arg0, %c0_i32 : i32, i32
  }
  func.func @transform_4(%arg0: i32) -> (i32, i32) {
    %c0_i32 = arith.constant 0 : i32
    %c0_i32_0 = arith.constant 0 : i32
    %c0_i32_1 = arith.constant 0 : i32
    return %c0_i32, %c0_i32_0 : i32, i32
  }
  func.func @transform_5(%arg0: i32) -> (i32, i32) {
    %c0_i32 = arith.constant 0 : i32
    %c0_i32_0 = arith.constant 0 : i32
    %c0_i32_1 = arith.constant 0 : i32
    return %c0_i32, %c0_i32_0 : i32, i32
  }
  func.func @transform_6(%arg0: i32) -> (i32, i32) {
    %c0_i32 = arith.constant 0 : i32
    %c0_i32_0 = arith.constant 0 : i32
    %c0_i32_1 = arith.constant 0 : i32
    return %c0_i32, %c0_i32_0 : i32, i32
  }
  func.func @transform_7(%arg0: i32) -> (i32, i32) {
    %c0_i32 = arith.constant 0 : i32
    %c0_i32_0 = arith.constant 0 : i32
    return %arg0, %c0_i32 : i32, i32
  }
  func.func @transform_8(%arg0: i32) -> (i32, i32) {
    %c0_i32 = arith.constant 0 : i32
    %c0_i32_0 = arith.constant 0 : i32
    return %arg0, %c0_i32 : i32, i32
  }
}

</mosaic_0001>

<sc_bundles>
// kernel: kernel.13.cloned.1.call-start
scs
__scs_entry_jumppad:
0x0: {  	(pc) =	sbr.rel $0x88, $3  }
0x1: {  	(tag) =	ssettag $0x0;
	lr =	simm.s32 $0x1  }
0x2: {  	[smem:$0x3F93] =	sst lr;
	_ =	strace $0xD0000000  }
0x3: {  	_ = 	snop  }
0x4: {  	_ = 	snop  }
0x5: {  	_ = 	snop  }
0x6: {  	_ = 	snop  }
0x7: {  	_ = 	snop  }
__scs_overlays_trampoline_lowered:
0x8: {  	[smem:$0x3FA2] =	sst s0  }
0x9: {  	[smem:$0x3FA3] =	sst s1  }
0xa: {  	[smem:$0x3FA4] =	sst s2  }
0xb: {  	[smem:$0x3FA5] =	sst s3  }
0xc: {  	[smem:$0x3FA6] =	sst s4  }
0xd: {  	[smem:$0x3FA7] =	sst s5  }
0xe: {  	[smem:$0x3FA8] =	sst s6  }
0xf: {  	[smem:$0x3FA9] =	sst s7  }
0x10: {  	[smem:$0x3FAA] =	sst s8  }
0x11: {  	[smem:$0x3FAB] =	sst s9;
	s0 =	simm.s32 @!p0 $0x0  }
0x12: {  	s1 =	sld [smem:$0x3F91];
	s0 =	simm.s32 @p0 $0x1  }
0x13: {  	[smem:$0x3FAC] =	sst s0;
	s0 =	simm.s32 @!p1 $0x0  }
0x14: {  	s2 =	sld [smem:$0x3F90];
	s0 =	simm.s32 @p1 $0x1  }
0x15: {  	[smem:$0x3FAD] =	sst s0;
	s0 =	simm.s32 @!p2 $0x0  }
0x16: {  	s3 =	sld [smem:$0x3FDB];
	s0 =	simm.s32 @p2 $0x1  }
0x17: {  	s4 =	simm.s32 $0x1BF5;
	[smem:$0x3FAF] =	sst s0  }
0x18: {  	s0 =	sld [smem:$0x3F92];
	_ =	swait.ge [sflag:s4], $0x0  }
0x19: {  	s7 =	sld [smem:$0x3F93]  }
0x1a: {  	s8 =	sadd.s32 $0xFFFFE003, lr  }
0x1b: {  	s9 =	sadd.s32 $0xFFFFFEF7, lr;
	s5 =	simm.s32 $0xFFFFFFFF;
	p2 =	slt.u32 s8, $0xFFFFF086  }
0x1c: {  	p1 =	slt.u32 s9, $0xF7A;
	s5 =	simm.s32 @!p2 $0x0  }
0x1d: {  	s5 =	simm.s32 @p1 $0x1;
	p0 =	seq.s32 s7, s2  }
0x1e: {  	s7 =	smul.u32 @!p0 $0xF7A, s2;
	p2 =	seq.s32 @!p0 s5, $0x0  }
0x1f: {  	s9 =	smul.u32 $0xF7A, s1;
	s8 =	simm.s32 @!p0 $0x1BF5;
	p2 =	por !p2, p0  }
0x20: {  	[sflag:s8] =	ssyncset.s32 @!p0 $0xFFFFF086;
	s6 =	sadd.s32 @!p0 s3, s7;
	s7 =	simm.s32 @!p0 $0x108  }
0x21: {  	s3 =	sadd.s32 s3, s9;
	s6 =	sadd.s32 @!p0 $0x88, s6;
	s7 =	simm.s32 @p2 $0x1082  }
0x22: {  	[simem:s7], [sflag:s8] =	dma.local @!p0 [hbm:s6], $0xF7A  }
0x23: {  	s9 =	sor.u32 $0xD0000000, s2;
	s6 =	simm.s32 $0x108;
	_ =	swait.ge @!p0 [sflag:s8], $0x0  }
0x24: {  	s3 =	sadd.s32 $0x88, s3;
	s6 =	simm.s32 @!p1 $0x1082;
	[sflag:s4] =	ssyncset.s32 $0xFFFFF086  }
0x25: {  	[simem:s6], [sflag:s4] =	dma.local [hbm:s3], $0xF7A  }
0x26: {  	[smem:$0x3F93] =	sst s1;
	(tag) =	ssettag s2;
	_ =	strace s9  }
0x27: {  	s1 =	sld [smem:$0x3FA3]  }
0x28: {  	s2 =	sld [smem:$0x3FA4]  }
0x29: {  	s4 =	sld [smem:$0x3FA6]  }
0x2a: {  	p0 =	seq.s32 s5, $0x0;
	s5 =	sld [smem:$0x3FA7]  }
0x2b: {  	s6 =	sld [smem:$0x3FA8]  }
0x2c: {  	s7 =	sld [smem:$0x3FA9]  }
0x2d: {  	s3 =	simm.s32 $0x108;
	s8 =	sld [smem:$0x3FAA]  }
0x2e: {  	s3 =	simm.s32 @!p0 $0x1082;
	s9 =	sld [smem:$0x3FAB]  }
0x2f: {  	lr =	sadd.s32 s0, s3;
	s0 =	sld [smem:$0x3FA2]  }
0x30: {  	s3 =	sld [smem:$0x3FA5]  }
0x31: {  	[smem:$0x3FAE] =	sst s10  }
0x32: {  	s10 =	sld [smem:$0x3FAC];
	_ =	sdelay $0x3  }
0x33: {  	p0 =	seq.s32 s10, $0x1;
	s10 =	sld [smem:$0x3FAE];
	_ =	sdelay $0x3  }
0x34: {  	[smem:$0x3FAE] =	sst s10  }
0x35: {  	s10 =	sld [smem:$0x3FAD];
	_ =	sdelay $0x3  }
0x36: {  	p1 =	seq.s32 s10, $0x1;
	s10 =	sld [smem:$0x3FAE];
	_ =	sdelay $0x3  }
0x37: {  	[smem:$0x3FAE] =	sst s10  }
0x38: {  	s10 =	sld [smem:$0x3FAF]  }
0x39: {  	_ = 	snop;
	(pc) =	sbr.ind lr, $3  }
0x3a: {  	_ = 	snop  }
0x3b: {  	_ = 	snop  }
0x3c: {  	p2 =	seq.s32 s10, $0x1;
	s10 =	sld [smem:$0x3FAE]  }
0x3d: {  	_ =	shalt  }
0x3e: {  	_ =	shalt  }
0x3f: {  	_ =	shalt  }
0x40: {  	_ =	shalt  }
0x41: {  	_ =	shalt  }
0x42: {  	_ =	shalt  }
0x43: {  	_ =	shalt  }
0x44: {  	_ =	shalt  }
0x45: {  	_ =	shalt  }
0x46: {  	_ =	shalt  }
0x47: {  	_ =	shalt  }
0x48: {  	_ =	shalt  }
0x49: {  	_ =	shalt  }
0x4a: {  	_ =	shalt  }
0x4b: {  	_ =	shalt  }
0x4c: {  	_ =	shalt  }
0x4d: {  	_ =	shalt  }
0x4e: {  	_ =	shalt  }
0x4f: {  	_ =	shalt  }
0x50: {  	_ =	shalt  }
0x51: {  	_ =	shalt  }
0x52: {  	_ =	shalt  }
0x53: {  	_ =	shalt  }
0x54: {  	_ =	shalt  }
0x55: {  	_ =	shalt  }
0x56: {  	_ =	shalt  }
0x57: {  	_ =	shalt  }
0x58: {  	_ =	shalt  }
0x59: {  	_ =	shalt  }
0x5a: {  	_ =	shalt  }
0x5b: {  	_ =	shalt  }
0x5c: {  	_ =	shalt  }
0x5d: {  	_ =	shalt  }
0x5e: {  	_ =	shalt  }
0x5f: {  	_ =	shalt  }
0x60: {  	_ =	shalt  }
0x61: {  	_ =	shalt  }
0x62: {  	_ =	shalt  }
0x63: {  	_ =	shalt  }
0x64: {  	_ =	shalt  }
0x65: {  	_ =	shalt  }
0x66: {  	_ =	shalt  }
0x67: {  	_ =	shalt  }
0x68: {  	_ =	shalt  }
0x69: {  	_ =	shalt  }
0x6a: {  	_ =	shalt  }
0x6b: {  	_ =	shalt  }
0x6c: {  	_ =	shalt  }
0x6d: {  	_ =	shalt  }
0x6e: {  	_ =	shalt  }
0x6f: {  	_ =	shalt  }
0x70: {  	_ =	shalt  }
0x71: {  	_ =	shalt  }
0x72: {  	_ =	shalt  }
0x73: {  	_ =	shalt  }
0x74: {  	_ =	shalt  }
0x75: {  	_ =	shalt  }
0x76: {  	_ =	shalt  }
0x77: {  	_ =	shalt  }
0x78: {  	_ =	shalt  }
0x79: {  	_ =	shalt  }
0x7a: {  	_ =	shalt  }
0x7b: {  	_ =	shalt  }
0x7c: {  	_ =	shalt  }
0x7d: {  	_ =	shalt  }
0x7e: {  	_ =	shalt  }
0x7f: {  	_ =	shalt  }
0x80: {  	_ =	shalt  }
0x81: {  	_ =	shalt  }
0x82: {  	_ =	shalt  }
0x83: {  	_ =	shalt  }
0x84: {  	_ =	shalt  }
0x85: {  	_ =	shalt  }
0x86: {  	_ =	shalt  }
0x87: {  	_ =	shalt  }
.Lfunc_end0:
.L_simem_size_0:
called_computation_lowered:
.L_overlay_start_0:
0x88: {  	s2 =	sld [smem:$0x3FD9]  }
0x89: {  	s3 =	sld [smem:$0x3FFE];
	_ =	sdelay $0x1  }
0x8a: {  	s1 =	srdreg.scid  }
0x8b: {  	s0 =	sand.u32 $0x1, s1  }
0x8c: {  	s17 =	sshll.u32 s0, $0xA;
	s2 =	sadd.s32 s3, s2  }
0x8d: {  	s2 =	sadd.s32 s2, s17  }
0x8e: {  	[smem:$0x3FBA] =	sst s2  }
0x8f: {  	_ = 	snop  }
0x90: {  	s2 =	sld [smem:$0x3FD0];
	(tm) =	ssettm $0x1  }
0x91: {  	s18 =	sld [smem:$0x3FFB];
	_ =	sdelay $0x3  }
0x92: {  	_ =	strace s18  }
0x93: {  	s3 =	sld [smem:$0x3FFC];
	_ =	sdelay $0x3  }
0x94: {  	_ =	strace s3  }
0x95: {  	s3 =	sld [smem:$0x3FFD];
	_ =	sdelay $0x3  }
0x96: {  	_ =	strace s3  }
0x97: {  	_ =	strace $0x8FFFFFFF  }
0x98: {  	s19 =	sld [smem:$0x3FDB];
	_ =	sdelay $0x1  }
0x99: {  	s4 =	simm.s32 $_scs_section_size  }
0x9a: {  	s5 =	simm.s32 $_size__tile_overlayer_lowered;
	s6 =	simm.s32 $_tile_overlayer_lowered  }
0x9b: {  	s22 =	simm.s32 $0x1BFF;
	s21 =	sshll.u32 s6, $0x1;
	s3 =	sadd.s32 s4, s19  }
0x9c: {  	s7 =	simm.s32 $0x0;
	s20 =	sshll.u32 s5, $0x1;
	s5 =	sadd.s32 s21, s3  }
0x9d: {  	[timem:s7], [sflag:s22] =	dma.local [hbm:s5], s20  }
0x9e: {  	_ =	swait.ge [sflag:s22], s20  }
0x9f: {  	s4 =	ssub.s32 $0x0, s20;
	[sflag:s22] =	ssyncset.done $0x0  }
0xa0: {  	[sflag:s22] =	ssyncadd.s32 s4;
	_ =	sdelay $0x1  }
0xa1: {  	s23 =	simm.s32 $0x1B8B  }
0xa2: {  	_ =	swait.ge [sflag:s23], $0x1  }
0xa3: {  	[sflag:s23] =	ssyncset.done $0x0  }
0xa4: {  	s25 =	simm.s32 $0x1B8E;
	s24 =	sld [smem:$0x3FFE];
	[sflag:s23] =	ssyncadd.s32 $0xFFFFFFFF  }
0xa5: {  	s26 =	simm.s32 $execute0_lowered;
	[smem:$0x3FD2] =	sst s25  }
0xa6: {  	s5 =	sshll.u32 s26, $0x1;
	_ =	strace $0x80000046;
	[dreg:$0x1] =	wrdreg $0xFFFFFFFF  }
0xa7: {  	s28 =	simm.s32 $_size_execute0_lowered;
	s3 =	sadd.s32 s3, s5;
	[dreg:$0x0] =	wrdreg $0x0  }
0xa8: {  	s5 =	sshll.u32 s28, $0x1;
	[dreg:$0x2] =	wrdreg s3  }
0xa9: {  	[dreg:$0x3] =	wrdreg s5  }
0xaa: {  	[dreg:$0x4] =	wrdreg $0xC0  }
0xab: {  	_ =	task [dreg:s7], $0x5FFFF  }
0xac: {  	[dreg:$0x1] =	wrdreg $0xFFFFFFFF  }
0xad: {  	[dreg:$0x0] =	wrdreg $0x60  }
0xae: {  	[dreg:$0x2] =	wrdreg s24  }
0xaf: {  	[dreg:$0x3] =	wrdreg s2  }
0xb0: {  	[dreg:$0x4] =	wrdreg $0x68000  }
0xb1: {  	[dreg:$0x5] =	wrdreg $0x9  }
0xb2: {  	_ =	task.clear_ibuf [dreg:s7], $0x6FFFF;
	_ =	strace $0x90000046  }
0xb3: {  	s29 =	simm.s32 $0x9;
	_ =	strace $0x80000048  }
0xb4: {  	_ =	swait.ge [sflag:s29], $0x1  }
0xb5: {  	[sflag:s29] =	ssyncadd.s32 $0xFFFFFFFF  }
0xb6: {  	_ =	strace $0x90000048  }
0xb7: {  	_ =	sfence  }
0xb8: {  	s30 =	sld [smem:$0x0];
	_ =	sdelay $0x2  }
0xb9: {  	s31 =	sshll.u32 s1, $0xD;
	s1 =	sshrl.u32 s1, $0x2  }
0xba: {  	s3 =	sand.u32 $0x4000, s31;
	s1 =	sadd.s32 s1, s30  }
0xbb: {  	s0 =	sor.u32 s3, s0;
	s1 =	sshll.u32 s1, $0x11  }
0xbc: {  	s0 =	sor.u32 s1, s0  }
0xbd: {  	s0 =	sadd.s32 $0x8F2B, s0  }
0xbe: {  	[sflag:s0] =	ssyncadd.remote.s32 $0x1  }
0xbf: {  	_ =	sfence.sel $0xFFFF  }
0xc0: {  	[dreg:$0x0] =	wrdreg $0xFFFFFFFF;
	(pc) =	sbr.abs _section_cstart, $3  }
0xc1: {  	[dreg:$0x1] =	wrdreg $0xFFFFFFFF  }
0xc2: {  	_ =	task.clear_ibuf [dreg:s7], $0x2FFFF;
	_ =	strace $0x9FFFFFFF  }
0xc3: {  	(tm) =	ssettm $0x7FFFFFFF  }
tec
execute0_lowered:
.L_overlay_start_1:
0x0: {  	(tag) =	ssettag $0x1  }
0x1: {  	s0 =	srdreg.scid;
	s7 =	rddreg [dreg:$0x0]  }
0x2: {  	s2 =	rddreg [dreg:$0x1];
	s6 =	sand.u32 $0x1, s0;
	s0 =	stileid.u32  }
0x3: {  	s3 =	rddreg [dreg:$0x2];
	s4 =	simm.s32 $0x0;
	s8 =	smul.u32 $0x2780, s0  }
0x4: {  	s13 =	simm.s32 $0x80;
	s14 =	simm.s32 $0x0;
	s9 =	smul.u32 $0x27800, s6  }
0x5: {  	[smem:$0x7FF] =	sst s4;
	s1 =	sshll.u32 s6, $0x4;
	s11 =	smul.u32 $0x4F000, s0  }
0x6: {  	s6 =	ssub.s32 $0x2, s6;
	s31 =	sshll.u32 s0, $0x6;
	s1 =	sor.u32 s0, s1  }
0x7: {  	s29 =	sshrl.u32 s6, $0x1;
	s5 =	smul.u32 $0x500, s1;
	s1 =	rddreg [dreg:$0x3]  }
0x8: {  	_ =	strace $0x80000047;
	s8 =	sadd.s32 s8, s9;
	s30 =	sshrl.u32 s11, $0x2  }
0x9: {  	s9 =	simm.s32 $0x1;
	s11 =	sor.u32 $0x1C01, s31;
	s12 =	sadd.s32 s30, s3  }
0xa: {  	s10 =	sadd.s32 s5, s7;
	s5 =	sadd.s32 $0xFE00, s7;
	s7 =	sadd.s32 s8, s7  }
0xb: {  	s8 =	ssub.s32 s6, s29;
	s12 =	sshrl.u32 s12, $0x3;
	s6 =	sadd.s32 $0x5E00, s10  }
0xc: {  	s7 =	sadd.s32 $0x12600, s7;
	s8 =	smax.u32 s8, $0x1;
	s10 =	simm.s32 $0x2800  }
.LBB2_1:
0xd: {  	[tilespmem:s4], [sflag:$0x1] =	stream.linear.gather [hbm4b:s6+s4], $0x2780, $0x38;
	[tilespmem:$0x1A400] =	vst v63  }
0xe: {  	_ =	swait.ge [sflag:s9], $0x2780  }
0xf: {  	[sflag:s9] =	ssyncset.done $0x0  }
0x10: {  	[sflag:s9] =	ssyncadd.s32 $0xFFFFD880  }
0x11: {  	[tilespmem:s10], [sflag:$0x1] =	stream.linear.gather [hbm4b:s2+s4], $0x4000, $0x38;
	[tilespmem:$0x1A400] =	vst v63  }
0x12: {  	_ =	swait.ge [sflag:s9], $0x4000  }
0x13: {  	[sflag:s9] =	ssyncset.done $0x0  }
0x14: {  	[sflag:s9] =	ssyncadd.s32 $0xFFFFC000  }
0x15: {  	[spmem:s12], [sflag:s11] =	dma.local [hbm:s5], $0x2780  }
0x16: {  	_ =	swait.ge [sflag:s9], $0x2780  }
0x17: {  	[sflag:s9] =	ssyncset.done $0x0  }
0x18: {  	[sflag:s9] =	ssyncadd.s32 $0xFFFFD880  }
0x19: {  	s15 =	simm.s32 $0x0;
	[bflag:$0x0] =	sbarrier.arrive $0xFFFF  }
0x1a: {  	[spmem:s3] =	stream.indirect.scatter.add.f32 [tilespmem:s10], [sflag:$0x1], $0x80, s15, s13, $0xb8;
	[tilespmem:$0x1A400] =	vst v63  }
0x1b: {  	_ =	swait.ge [sflag:s9], $0x4000  }
0x1c: {  	s15 =	simm.s32 $0x200;
	[sflag:s9] =	ssyncset.done $0x0  }
.LBB2_2:
0x1d: {  	s16 =	sshra.s32 s15, $0x2;
	[sflag:s9] =	ssyncadd.s32 $0xFFFFC000;
	p0 =	sne.s32 s15, $0x9C00  }
0x1e: {  	[spmem:s3] =	stream.indirect.scatter.add.f32 [tilespmem:s10], [sflag:$0x1], $0x80, s16, s13, $0xb8;
	[tilespmem:$0x1A400] =	vst v63  }
.Ltmp0:
0x1f: {  	_ = 	snop;
	(pc) =	sbr.rel @p0 .LBB2_2-.Ltmp0, $4  }
0x20: {  	_ = 	snop  }
0x21: {  	s15 =	sadd.s32 $0x200, s15  }
0x22: {  	_ =	swait.ge [sflag:s9], $0x4000  }
0x23: {  	[sflag:s9] =	ssyncset.done $0x0  }
0x24: {  	s14 =	sadd.s32 $0x1, s14  }
0x25: {  	[sflag:s9] =	ssyncadd.s32 $0xFFFFC000;
	p0 =	sne.s32 s14, s8  }
.Ltmp1:
0x26: {  	[bflag:$0x0] =	sbarrier.arrive $0xFFFF;
	(pc) =	sbr.rel @p0 .LBB2_1-.Ltmp1, $4  }
0x27: {  	[hbm:s7], [sflag:s11] =	dma.local [spmem:s12], $0x2780  }
0x28: {  	_ =	swait.ge [sflag:s9], $0x2780  }
0x29: {  	[sflag:s9] =	ssyncset.done $0x0  }
0x2a: {  	[sflag:s9] =	ssyncadd.s32 $0xFFFFD880  }
0x2b: {  	_ =	sfence.sel $0x180000  }
0x2c: {  	[bflag:$0x0] =	sbarrier.arrive $0xFFFF  }
0x2d: {  	p0 =	sne.s32 s0, $0x0;
	_ =	strace $0x90000047  }
0x2e: {  	s0 =	sadd.s32 @!p0 $0x100000, s1;
	[bflag:$0x2] =	sbarrier.arrive $0xFFFF  }
0x2f: {  	[sflag:s0] =	ssyncadd.tile.s32 @!p0 $0x1;
	_ =	shalt  }
.Lfunc_end2:
_tile_overlayer_lowered:
.L_overlay_start_2:
0x30: {  	(tag) =	ssettag $0x2  }
0x31: {  	s0 =	rddreg [dreg:$0x0];
	s2 =	stileid.u32  }
0x32: {  	s1 =	rddreg [dreg:$0x1];
	p0 =	sne.s32 s2, $0x0  }
0x33: {  	s3 =	rddreg [dreg:$0x2];
	[bflag:$0x3] =	sbarrier.arrive $0xFFFF;
	s2 =	simm.s32 @!p0 $0x1C01  }
0x34: {  	[timem:s3], [sflag:s2] =	dma.local @!p0 [hbm:s0], s1  }
0x35: {  	s0 =	simm.s32 @!p0 $0x1  }
0x36: {  	_ =	swait.ge @!p0 [sflag:s0], s1  }
0x37: {  	s1 =	ssub.s32 @!p0 $0x0, s1;
	[sflag:s0] =	ssyncset.done @!p0 $0x0  }
0x38: {  	[sflag:s0] =	ssyncadd.s32 @!p0 s1  }
0x39: {  	[bflag:$0x3] =	sbarrier.arrive $0xFFFF  }
0x3a: {  	_ =	shalt  }

// kernel: kernel.16.cloned.1.call-start
scs
__scs_entry_jumppad:
0x0: {  	(pc) =	sbr.rel $0x88, $3  }
0x1: {  	(tag) =	ssettag $0x0;
	lr =	simm.s32 $0x1  }
0x2: {  	[smem:$0x3F93] =	sst lr;
	_ =	strace $0xD0000000  }
0x3: {  	_ = 	snop  }
0x4: {  	_ = 	snop  }
0x5: {  	_ = 	snop  }
0x6: {  	_ = 	snop  }
0x7: {  	_ = 	snop  }
__scs_overlays_trampoline_lowered:
0x8: {  	[smem:$0x3FA2] =	sst s0  }
0x9: {  	[smem:$0x3FA3] =	sst s1  }
0xa: {  	[smem:$0x3FA4] =	sst s2  }
0xb: {  	[smem:$0x3FA5] =	sst s3  }
0xc: {  	[smem:$0x3FA6] =	sst s4  }
0xd: {  	[smem:$0x3FA7] =	sst s5  }
0xe: {  	[smem:$0x3FA8] =	sst s6  }
0xf: {  	[smem:$0x3FA9] =	sst s7  }
0x10: {  	[smem:$0x3FAA] =	sst s8  }
0x11: {  	[smem:$0x3FAB] =	sst s9;
	s0 =	simm.s32 @!p0 $0x0  }
0x12: {  	s1 =	sld [smem:$0x3F91];
	s0 =	simm.s32 @p0 $0x1  }
0x13: {  	[smem:$0x3FAC] =	sst s0;
	s0 =	simm.s32 @!p1 $0x0  }
0x14: {  	s2 =	sld [smem:$0x3F90];
	s0 =	simm.s32 @p1 $0x1  }
0x15: {  	[smem:$0x3FAD] =	sst s0;
	s0 =	simm.s32 @!p2 $0x0  }
0x16: {  	s3 =	sld [smem:$0x3FDB];
	s0 =	simm.s32 @p2 $0x1  }
0x17: {  	s4 =	simm.s32 $0x1BF5;
	[smem:$0x3FAF] =	sst s0  }
0x18: {  	s0 =	sld [smem:$0x3F92];
	_ =	swait.ge [sflag:s4], $0x0  }
0x19: {  	s7 =	sld [smem:$0x3F93]  }
0x1a: {  	s8 =	sadd.s32 $0xFFFFE003, lr  }
0x1b: {  	s9 =	sadd.s32 $0xFFFFFEF7, lr;
	s5 =	simm.s32 $0xFFFFFFFF;
	p2 =	slt.u32 s8, $0xFFFFF086  }
0x1c: {  	p1 =	slt.u32 s9, $0xF7A;
	s5 =	simm.s32 @!p2 $0x0  }
0x1d: {  	s5 =	simm.s32 @p1 $0x1;
	p0 =	seq.s32 s7, s2  }
0x1e: {  	s7 =	smul.u32 @!p0 $0xF7A, s2;
	p2 =	seq.s32 @!p0 s5, $0x0  }
0x1f: {  	s9 =	smul.u32 $0xF7A, s1;
	s8 =	simm.s32 @!p0 $0x1BF5;
	p2 =	por !p2, p0  }
0x20: {  	[sflag:s8] =	ssyncset.s32 @!p0 $0xFFFFF086;
	s6 =	sadd.s32 @!p0 s3, s7;
	s7 =	simm.s32 @!p0 $0x108  }
0x21: {  	s3 =	sadd.s32 s3, s9;
	s6 =	sadd.s32 @!p0 $0x88, s6;
	s7 =	simm.s32 @p2 $0x1082  }
0x22: {  	[simem:s7], [sflag:s8] =	dma.local @!p0 [hbm:s6], $0xF7A  }
0x23: {  	s9 =	sor.u32 $0xD0000000, s2;
	s6 =	simm.s32 $0x108;
	_ =	swait.ge @!p0 [sflag:s8], $0x0  }
0x24: {  	s3 =	sadd.s32 $0x88, s3;
	s6 =	simm.s32 @!p1 $0x1082;
	[sflag:s4] =	ssyncset.s32 $0xFFFFF086  }
0x25: {  	[simem:s6], [sflag:s4] =	dma.local [hbm:s3], $0xF7A  }
0x26: {  	[smem:$0x3F93] =	sst s1;
	(tag) =	ssettag s2;
	_ =	strace s9  }
0x27: {  	s1 =	sld [smem:$0x3FA3]  }
0x28: {  	s2 =	sld [smem:$0x3FA4]  }
0x29: {  	s4 =	sld [smem:$0x3FA6]  }
0x2a: {  	p0 =	seq.s32 s5, $0x0;
	s5 =	sld [smem:$0x3FA7]  }
0x2b: {  	s6 =	sld [smem:$0x3FA8]  }
0x2c: {  	s7 =	sld [smem:$0x3FA9]  }
0x2d: {  	s3 =	simm.s32 $0x108;
	s8 =	sld [smem:$0x3FAA]  }
0x2e: {  	s3 =	simm.s32 @!p0 $0x1082;
	s9 =	sld [smem:$0x3FAB]  }
0x2f: {  	lr =	sadd.s32 s0, s3;
	s0 =	sld [smem:$0x3FA2]  }
0x30: {  	s3 =	sld [smem:$0x3FA5]  }
0x31: {  	[smem:$0x3FAE] =	sst s10  }
0x32: {  	s10 =	sld [smem:$0x3FAC];
	_ =	sdelay $0x3  }
0x33: {  	p0 =	seq.s32 s10, $0x1;
	s10 =	sld [smem:$0x3FAE];
	_ =	sdelay $0x3  }
0x34: {  	[smem:$0x3FAE] =	sst s10  }
0x35: {  	s10 =	sld [smem:$0x3FAD];
	_ =	sdelay $0x3  }
0x36: {  	p1 =	seq.s32 s10, $0x1;
	s10 =	sld [smem:$0x3FAE];
	_ =	sdelay $0x3  }
0x37: {  	[smem:$0x3FAE] =	sst s10  }
0x38: {  	s10 =	sld [smem:$0x3FAF]  }
0x39: {  	_ = 	snop;
	(pc) =	sbr.ind lr, $3  }
0x3a: {  	_ = 	snop  }
0x3b: {  	_ = 	snop  }
0x3c: {  	p2 =	seq.s32 s10, $0x1;
	s10 =	sld [smem:$0x3FAE]  }
0x3d: {  	_ =	shalt  }
0x3e: {  	_ =	shalt  }
0x3f: {  	_ =	shalt  }
0x40: {  	_ =	shalt  }
0x41: {  	_ =	shalt  }
0x42: {  	_ =	shalt  }
0x43: {  	_ =	shalt  }
0x44: {  	_ =	shalt  }
0x45: {  	_ =	shalt  }
0x46: {  	_ =	shalt  }
0x47: {  	_ =	shalt  }
0x48: {  	_ =	shalt  }
0x49: {  	_ =	shalt  }
0x4a: {  	_ =	shalt  }
0x4b: {  	_ =	shalt  }
0x4c: {  	_ =	shalt  }
0x4d: {  	_ =	shalt  }
0x4e: {  	_ =	shalt  }
0x4f: {  	_ =	shalt  }
0x50: {  	_ =	shalt  }
0x51: {  	_ =	shalt  }
0x52: {  	_ =	shalt  }
0x53: {  	_ =	shalt  }
0x54: {  	_ =	shalt  }
0x55: {  	_ =	shalt  }
0x56: {  	_ =	shalt  }
0x57: {  	_ =	shalt  }
0x58: {  	_ =	shalt  }
0x59: {  	_ =	shalt  }
0x5a: {  	_ =	shalt  }
0x5b: {  	_ =	shalt  }
0x5c: {  	_ =	shalt  }
0x5d: {  	_ =	shalt  }
0x5e: {  	_ =	shalt  }
0x5f: {  	_ =	shalt  }
0x60: {  	_ =	shalt  }
0x61: {  	_ =	shalt  }
0x62: {  	_ =	shalt  }
0x63: {  	_ =	shalt  }
0x64: {  	_ =	shalt  }
0x65: {  	_ =	shalt  }
0x66: {  	_ =	shalt  }
0x67: {  	_ =	shalt  }
0x68: {  	_ =	shalt  }
0x69: {  	_ =	shalt  }
0x6a: {  	_ =	shalt  }
0x6b: {  	_ =	shalt  }
0x6c: {  	_ =	shalt  }
0x6d: {  	_ =	shalt  }
0x6e: {  	_ =	shalt  }
0x6f: {  	_ =	shalt  }
0x70: {  	_ =	shalt  }
0x71: {  	_ =	shalt  }
0x72: {  	_ =	shalt  }
0x73: {  	_ =	shalt  }
0x74: {  	_ =	shalt  }
0x75: {  	_ =	shalt  }
0x76: {  	_ =	shalt  }
0x77: {  	_ =	shalt  }
0x78: {  	_ =	shalt  }
0x79: {  	_ =	shalt  }
0x7a: {  	_ =	shalt  }
0x7b: {  	_ =	shalt  }
0x7c: {  	_ =	shalt  }
0x7d: {  	_ =	shalt  }
0x7e: {  	_ =	shalt  }
0x7f: {  	_ =	shalt  }
0x80: {  	_ =	shalt  }
0x81: {  	_ =	shalt  }
0x82: {  	_ =	shalt  }
0x83: {  	_ =	shalt  }
0x84: {  	_ =	shalt  }
0x85: {  	_ =	shalt  }
0x86: {  	_ =	shalt  }
0x87: {  	_ =	shalt  }
.Lfunc_end0:
.L_simem_size_0:
called_computation.1_lowered:
.L_overlay_start_0:
0x88: {  	s2 =	sld [smem:$0x3FD9]  }
0x89: {  	s3 =	sld [smem:$0x3FFE];
	_ =	sdelay $0x1  }
0x8a: {  	s1 =	srdreg.scid  }
0x8b: {  	s0 =	sand.u32 $0x1, s1  }
0x8c: {  	s17 =	sshll.u32 s0, $0xA;
	s2 =	sadd.s32 s3, s2  }
0x8d: {  	s2 =	sadd.s32 s2, s17  }
0x8e: {  	[smem:$0x3FBA] =	sst s2  }
0x8f: {  	_ = 	snop  }
0x90: {  	s2 =	sld [smem:$0x3FD0];
	(tm) =	ssettm $0x1  }
0x91: {  	s18 =	sld [smem:$0x3FFB];
	_ =	sdelay $0x3  }
0x92: {  	_ =	strace s18  }
0x93: {  	s3 =	sld [smem:$0x3FFC];
	_ =	sdelay $0x3  }
0x94: {  	_ =	strace s3  }
0x95: {  	s3 =	sld [smem:$0x3FFD];
	_ =	sdelay $0x3  }
0x96: {  	_ =	strace s3  }
0x97: {  	_ =	strace $0x8FFFFFFF  }
0x98: {  	s19 =	sld [smem:$0x3FDB];
	_ =	sdelay $0x1  }
0x99: {  	s4 =	simm.s32 $_scs_section_size  }
0x9a: {  	s5 =	simm.s32 $_size__tile_overlayer_lowered;
	s6 =	simm.s32 $_tile_overlayer_lowered  }
0x9b: {  	s22 =	simm.s32 $0x1BFF;
	s21 =	sshll.u32 s6, $0x1;
	s3 =	sadd.s32 s4, s19  }
0x9c: {  	s7 =	simm.s32 $0x0;
	s20 =	sshll.u32 s5, $0x1;
	s5 =	sadd.s32 s21, s3  }
0x9d: {  	[timem:s7], [sflag:s22] =	dma.local [hbm:s5], s20  }
0x9e: {  	_ =	swait.ge [sflag:s22], s20  }
0x9f: {  	s4 =	ssub.s32 $0x0, s20;
	[sflag:s22] =	ssyncset.done $0x0  }
0xa0: {  	[sflag:s22] =	ssyncadd.s32 s4;
	_ =	sdelay $0x1  }
0xa1: {  	s23 =	simm.s32 $0x1B8B  }
0xa2: {  	_ =	swait.ge [sflag:s23], $0x1  }
0xa3: {  	[sflag:s23] =	ssyncset.done $0x0  }
0xa4: {  	s25 =	simm.s32 $0x1B8E;
	s24 =	sld [smem:$0x3FFE];
	[sflag:s23] =	ssyncadd.s32 $0xFFFFFFFF  }
0xa5: {  	s26 =	simm.s32 $execute0_lowered;
	[smem:$0x3FD2] =	sst s25  }
0xa6: {  	s5 =	sshll.u32 s26, $0x1;
	_ =	strace $0x80000049;
	[dreg:$0x1] =	wrdreg $0xFFFFFFFF  }
0xa7: {  	s28 =	simm.s32 $_size_execute0_lowered;
	s3 =	sadd.s32 s3, s5;
	[dreg:$0x0] =	wrdreg $0x0  }
0xa8: {  	s5 =	sshll.u32 s28, $0x1;
	[dreg:$0x2] =	wrdreg s3  }
0xa9: {  	[dreg:$0x3] =	wrdreg s5  }
0xaa: {  	[dreg:$0x4] =	wrdreg $0xC0  }
0xab: {  	_ =	task [dreg:s7], $0x5FFFF  }
0xac: {  	[dreg:$0x1] =	wrdreg $0xFFFFFFFF  }
0xad: {  	[dreg:$0x0] =	wrdreg $0x60  }
0xae: {  	[dreg:$0x2] =	wrdreg s2  }
0xaf: {  	[dreg:$0x3] =	wrdreg s24  }
0xb0: {  	[dreg:$0x4] =	wrdreg $0x90000  }
0xb1: {  	[dreg:$0x5] =	wrdreg $0x9  }
0xb2: {  	_ =	task.clear_ibuf [dreg:s7], $0x6FFFF;
	_ =	strace $0x90000049  }
0xb3: {  	s29 =	simm.s32 $0x9;
	_ =	strace $0x8000004B  }
0xb4: {  	_ =	swait.ge [sflag:s29], $0x1  }
0xb5: {  	[sflag:s29] =	ssyncadd.s32 $0xFFFFFFFF  }
0xb6: {  	_ =	strace $0x9000004B  }
0xb7: {  	_ =	sfence  }
0xb8: {  	s30 =	sld [smem:$0x0];
	_ =	sdelay $0x2  }
0xb9: {  	s31 =	sshll.u32 s1, $0xD;
	s1 =	sshrl.u32 s1, $0x2  }
0xba: {  	s3 =	sand.u32 $0x4000, s31;
	s1 =	sadd.s32 s1, s30  }
0xbb: {  	s0 =	sor.u32 s3, s0;
	s1 =	sshll.u32 s1, $0x11  }
0xbc: {  	s0 =	sor.u32 s1, s0  }
0xbd: {  	s0 =	sadd.s32 $0x8F2B, s0  }
0xbe: {  	[sflag:s0] =	ssyncadd.remote.s32 $0x1  }
0xbf: {  	_ =	sfence.sel $0xFFFF  }
0xc0: {  	[dreg:$0x0] =	wrdreg $0xFFFFFFFF;
	(pc) =	sbr.abs _section_cstart, $3  }
0xc1: {  	[dreg:$0x1] =	wrdreg $0xFFFFFFFF  }
0xc2: {  	_ =	task.clear_ibuf [dreg:s7], $0x2FFFF;
	_ =	strace $0x9FFFFFFF  }
0xc3: {  	(tm) =	ssettm $0x7FFFFFFF  }
tec
execute0_lowered:
.L_overlay_start_1:
0x0: {  	(tag) =	ssettag $0x1  }
0x1: {  	s1 =	rddreg [dreg:$0x0]  }
0x2: {  	s6 =	rddreg [dreg:$0x1]  }
0x3: {  	s0 =	srdreg.scid;
	s3 =	rddreg [dreg:$0x2];
	s4 =	simm.s32 $0x0  }
0x4: {  	s14 =	simm.s32 $0x80;
	s5 =	sand.u32 $0x1, s0;
	s0 =	stileid.u32  }
0x5: {  	s15 =	simm.s32 $0x5000;
	s16 =	simm.s32 $0x1;
	s8 =	smul.u32 $0x2780, s0  }
0x6: {  	s17 =	simm.s32 $0x0;
	[smem:$0x7FF] =	sst s4;
	s9 =	smul.u32 $0x27800, s5  }
0x7: {  	s2 =	sshll.u32 s5, $0x4;
	s10 =	ssub.s32 $0x2, s5;
	s11 =	smul.u32 $0x4F000, s0  }
0x8: {  	s5 =	sadd.s32 $0xFE00, s6;
	s12 =	sshll.u32 s0, $0x6;
	s2 =	sor.u32 s0, s2  }
0x9: {  	s30 =	sshrl.u32 s10, $0x1;
	s12 =	sor.u32 $0x1C02, s12;
	s7 =	smul.u32 $0x500, s2  }
0xa: {  	s2 =	rddreg [dreg:$0x3];
	_ =	strace $0x8000004A;
	s8 =	sadd.s32 s8, s9  }
0xb: {  	s9 =	ssub.s32 s10, s30;
	s31 =	sshrl.u32 s11, $0x2;
	s10 =	simm.s32 $0x2  }
0xc: {  	s11 =	simm.s32 $0x2800;
	s8 =	sadd.s32 s8, s6;
	s13 =	sadd.s32 s31, s3  }
0xd: {  	s9 =	smax.u32 s9, $0x1;
	s7 =	sadd.s32 s7, s6;
	s8 =	sadd.s32 $0x6B600, s8  }
0xe: {  	s13 =	sshrl.u32 s13, $0x3;
	s6 =	sadd.s32 $0x61600, s7;
	s7 =	sadd.s32 $0x5E00, s7  }
.LBB2_1:
0xf: {  	[tilespmem:s4], [sflag:$0x2] =	stream.linear.gather [hbm4b:s6+s4], $0x2780, $0x38;
	[tilespmem:$0x1CC00] =	vst v63  }
0x10: {  	_ =	swait.ge [sflag:s10], $0x2780  }
0x11: {  	[sflag:s10] =	ssyncset.done $0x0  }
0x12: {  	[sflag:s10] =	ssyncadd.s32 $0xFFFFD880  }
0x13: {  	[tilespmem:s11], [sflag:$0x2] =	stream.linear.gather [hbm4b:s7+s4], $0x2780, $0x38;
	[tilespmem:$0x1CC00] =	vst v63  }
0x14: {  	_ =	swait.ge [sflag:s10], $0x2780  }
0x15: {  	[sflag:s10] =	ssyncset.done $0x0  }
0x16: {  	[sflag:s10] =	ssyncadd.s32 $0xFFFFD880  }
0x17: {  	[spmem:s13], [sflag:s12] =	dma.local [hbm:s5], $0x2780  }
0x18: {  	_ =	swait.ge [sflag:s10], $0x2780  }
0x19: {  	[sflag:s10] =	ssyncset.done $0x0  }
0x1a: {  	[sflag:s10] =	ssyncadd.s32 $0xFFFFD880  }
0x1b: {  	s18 =	simm.s32 $0x0;
	[bflag:$0x0] =	sbarrier.arrive $0xFFFF  }
0x1c: {  	[tilespmem:s15], [sflag:$0x1] =	stream.indirect.gather [hbm4b:s1+s14], $0x80, s18, s14, $0xb8;
	[tilespmem:$0x1CC00] =	vst v63  }
0x1d: {  	_ =	swait.ge [sflag:s16], $0x4000  }
0x1e: {  	[sflag:s16] =	ssyncset.done $0x0  }
0x1f: {  	s31 =	simm.s32 $0x2800;
	[sflag:s16] =	ssyncadd.s32 $0xFFFFC000  }
0x20: {  	[spmem:s3] =	stream.indirect.scatter.add.f32 [tilespmem:s15], [sflag:$0x2], $0x80, s31, s14, $0xb8;
	[tilespmem:$0x1CC00] =	vst v63  }
0x21: {  	_ =	swait.ge [sflag:s10], $0x4000  }
0x22: {  	s19 =	simm.s32 $0x400;
	s18 =	simm.s32 $0x200;
	[sflag:s10] =	ssyncset.done $0x0  }
.LBB2_2:
0x23: {  	s20 =	sshra.s32 s18, $0x2  }
0x24: {  	[sflag:s10] =	ssyncadd.s32 $0xFFFFC000;
	s18 =	smov.u32 s19;
	s21 =	sadd.s32 $0x200, s19  }
0x25: {  	[tilespmem:s15], [sflag:$0x1] =	stream.indirect.gather [hbm4b:s1+s14], $0x80, s20, s14, $0xb8;
	[tilespmem:$0x1CC00] =	vst v63  }
0x26: {  	p0 =	sne.s32 s19, $0x9C00;
	_ =	swait.ge [sflag:s16], $0x4000  }
.Ltmp0:
0x27: {  	[sflag:s16] =	ssyncset.done $0x0;
	(pc) =	sbr.rel @p0 .LBB2_2-.Ltmp0, $4  }
0x28: {  	s19 =	sadd.s32 $0x2800, s20;
	[sflag:s16] =	ssyncadd.s32 $0xFFFFC000  }
0x29: {  	[spmem:s3] =	stream.indirect.scatter.add.f32 [tilespmem:s15], [sflag:$0x2], $0x80, s19, s14, $0xb8;
	[tilespmem:$0x1CC00] =	vst v63  }
0x2a: {  	_ =	swait.ge [sflag:s10], $0x4000  }
0x2b: {  	s19 =	smov.u32 s21;
	[sflag:s10] =	ssyncset.done $0x0  }
0x2c: {  	s18 =	sshra.s32 s18, $0x2;
	[sflag:s10] =	ssyncadd.s32 $0xFFFFC000  }
0x2d: {  	[tilespmem:s15], [sflag:$0x1] =	stream.indirect.gather [hbm4b:s1+s14], $0x80, s18, s14, $0xb8;
	[tilespmem:$0x1CC00] =	vst v63  }
0x2e: {  	_ =	swait.ge [sflag:s16], $0x4000  }
0x2f: {  	[sflag:s16] =	ssyncset.done $0x0  }
0x30: {  	s18 =	sadd.s32 $0x2800, s18;
	[sflag:s16] =	ssyncadd.s32 $0xFFFFC000  }
0x31: {  	[spmem:s3] =	stream.indirect.scatter.add.f32 [tilespmem:s15], [sflag:$0x2], $0x80, s18, s14, $0xb8;
	[tilespmem:$0x1CC00] =	vst v63  }
0x32: {  	_ =	swait.ge [sflag:s10], $0x4000  }
0x33: {  	s17 =	sadd.s32 $0x1, s17;
	[sflag:s10] =	ssyncset.done $0x0  }
0x34: {  	p0 =	sne.s32 s17, s9;
	[sflag:s10] =	ssyncadd.s32 $0xFFFFC000  }
.Ltmp1:
0x35: {  	[bflag:$0x0] =	sbarrier.arrive $0xFFFF;
	(pc) =	sbr.rel @p0 .LBB2_1-.Ltmp1, $4  }
0x36: {  	[hbm:s8], [sflag:s12] =	dma.local [spmem:s13], $0x2780  }
0x37: {  	_ =	swait.ge [sflag:s10], $0x2780  }
0x38: {  	[sflag:s10] =	ssyncset.done $0x0  }
0x39: {  	[sflag:s10] =	ssyncadd.s32 $0xFFFFD880  }
0x3a: {  	_ =	sfence.sel $0x180000  }
0x3b: {  	[bflag:$0x0] =	sbarrier.arrive $0xFFFF  }
0x3c: {  	p0 =	sne.s32 s0, $0x0;
	_ =	strace $0x9000004A  }
0x3d: {  	s0 =	sadd.s32 @!p0 $0x100000, s2;
	[bflag:$0x2] =	sbarrier.arrive $0xFFFF  }
0x3e: {  	[sflag:s0] =	ssyncadd.tile.s32 @!p0 $0x1;
	_ =	shalt  }
.Lfunc_end2:
_tile_overlayer_lowered:
.L_overlay_start_2:
0x3f: {  	(tag) =	ssettag $0x2  }
0x40: {  	s0 =	rddreg [dreg:$0x0];
	s2 =	stileid.u32  }
0x41: {  	s1 =	rddreg [dreg:$0x1];
	p0 =	sne.s32 s2, $0x0  }
0x42: {  	s3 =	rddreg [dreg:$0x2];
	[bflag:$0x3] =	sbarrier.arrive $0xFFFF;
	s2 =	simm.s32 @!p0 $0x1C02  }
0x43: {  	[timem:s3], [sflag:s2] =	dma.local @!p0 [hbm:s0], s1  }
0x44: {  	s0 =	simm.s32 @!p0 $0x2  }
0x45: {  	_ =	swait.ge @!p0 [sflag:s0], s1  }
0x46: {  	s1 =	ssub.s32 @!p0 $0x0, s1;
	[sflag:s0] =	ssyncset.done @!p0 $0x0  }
0x47: {  	[sflag:s0] =	ssyncadd.s32 @!p0 s1  }
0x48: {  	[bflag:$0x3] =	sbarrier.arrive $0xFFFF  }
0x49: {  	_ =	shalt  }

// kernel: kernel.19.cloned.1.call-start
scs
__scs_entry_jumppad:
0x0: {  	(pc) =	sbr.rel $0x88, $3  }
0x1: {  	(tag) =	ssettag $0x0;
	lr =	simm.s32 $0x1  }
0x2: {  	[smem:$0x3F93] =	sst lr;
	_ =	strace $0xD0000000  }
0x3: {  	_ = 	snop  }
0x4: {  	_ = 	snop  }
0x5: {  	_ = 	snop  }
0x6: {  	_ = 	snop  }
0x7: {  	_ = 	snop  }
__scs_overlays_trampoline_lowered:
0x8: {  	[smem:$0x3FA2] =	sst s0  }
0x9: {  	[smem:$0x3FA3] =	sst s1  }
0xa: {  	[smem:$0x3FA4] =	sst s2  }
0xb: {  	[smem:$0x3FA5] =	sst s3  }
0xc: {  	[smem:$0x3FA6] =	sst s4  }
0xd: {  	[smem:$0x3FA7] =	sst s5  }
0xe: {  	[smem:$0x3FA8] =	sst s6  }
0xf: {  	[smem:$0x3FA9] =	sst s7  }
0x10: {  	[smem:$0x3FAA] =	sst s8  }
0x11: {  	[smem:$0x3FAB] =	sst s9;
	s0 =	simm.s32 @!p0 $0x0  }
0x12: {  	s1 =	sld [smem:$0x3F91];
	s0 =	simm.s32 @p0 $0x1  }
0x13: {  	[smem:$0x3FAC] =	sst s0;
	s0 =	simm.s32 @!p1 $0x0  }
0x14: {  	s2 =	sld [smem:$0x3F90];
	s0 =	simm.s32 @p1 $0x1  }
0x15: {  	[smem:$0x3FAD] =	sst s0;
	s0 =	simm.s32 @!p2 $0x0  }
0x16: {  	s3 =	sld [smem:$0x3FDB];
	s0 =	simm.s32 @p2 $0x1  }
0x17: {  	s4 =	simm.s32 $0x1BF5;
	[smem:$0x3FAF] =	sst s0  }
0x18: {  	s0 =	sld [smem:$0x3F92];
	_ =	swait.ge [sflag:s4], $0x0  }
0x19: {  	s7 =	sld [smem:$0x3F93]  }
0x1a: {  	s8 =	sadd.s32 $0xFFFFE003, lr  }
0x1b: {  	s9 =	sadd.s32 $0xFFFFFEF7, lr;
	s5 =	simm.s32 $0xFFFFFFFF;
	p2 =	slt.u32 s8, $0xFFFFF086  }
0x1c: {  	p1 =	slt.u32 s9, $0xF7A;
	s5 =	simm.s32 @!p2 $0x0  }
0x1d: {  	s5 =	simm.s32 @p1 $0x1;
	p0 =	seq.s32 s7, s2  }
0x1e: {  	s7 =	smul.u32 @!p0 $0xF7A, s2;
	p2 =	seq.s32 @!p0 s5, $0x0  }
0x1f: {  	s9 =	smul.u32 $0xF7A, s1;
	s8 =	simm.s32 @!p0 $0x1BF5;
	p2 =	por !p2, p0  }
0x20: {  	[sflag:s8] =	ssyncset.s32 @!p0 $0xFFFFF086;
	s6 =	sadd.s32 @!p0 s3, s7;
	s7 =	simm.s32 @!p0 $0x108  }
0x21: {  	s3 =	sadd.s32 s3, s9;
	s6 =	sadd.s32 @!p0 $0x88, s6;
	s7 =	simm.s32 @p2 $0x1082  }
0x22: {  	[simem:s7], [sflag:s8] =	dma.local @!p0 [hbm:s6], $0xF7A  }
0x23: {  	s9 =	sor.u32 $0xD0000000, s2;
	s6 =	simm.s32 $0x108;
	_ =	swait.ge @!p0 [sflag:s8], $0x0  }
0x24: {  	s3 =	sadd.s32 $0x88, s3;
	s6 =	simm.s32 @!p1 $0x1082;
	[sflag:s4] =	ssyncset.s32 $0xFFFFF086  }
0x25: {  	[simem:s6], [sflag:s4] =	dma.local [hbm:s3], $0xF7A  }
0x26: {  	[smem:$0x3F93] =	sst s1;
	(tag) =	ssettag s2;
	_ =	strace s9  }
0x27: {  	s1 =	sld [smem:$0x3FA3]  }
0x28: {  	s2 =	sld [smem:$0x3FA4]  }
0x29: {  	s4 =	sld [smem:$0x3FA6]  }
0x2a: {  	p0 =	seq.s32 s5, $0x0;
	s5 =	sld [smem:$0x3FA7]  }
0x2b: {  	s6 =	sld [smem:$0x3FA8]  }
0x2c: {  	s7 =	sld [smem:$0x3FA9]  }
0x2d: {  	s3 =	simm.s32 $0x108;
	s8 =	sld [smem:$0x3FAA]  }
0x2e: {  	s3 =	simm.s32 @!p0 $0x1082;
	s9 =	sld [smem:$0x3FAB]  }
0x2f: {  	lr =	sadd.s32 s0, s3;
	s0 =	sld [smem:$0x3FA2]  }
0x30: {  	s3 =	sld [smem:$0x3FA5]  }
0x31: {  	[smem:$0x3FAE] =	sst s10  }
0x32: {  	s10 =	sld [smem:$0x3FAC];
	_ =	sdelay $0x3  }
0x33: {  	p0 =	seq.s32 s10, $0x1;
	s10 =	sld [smem:$0x3FAE];
	_ =	sdelay $0x3  }
0x34: {  	[smem:$0x3FAE] =	sst s10  }
0x35: {  	s10 =	sld [smem:$0x3FAD];
	_ =	sdelay $0x3  }
0x36: {  	p1 =	seq.s32 s10, $0x1;
	s10 =	sld [smem:$0x3FAE];
	_ =	sdelay $0x3  }
0x37: {  	[smem:$0x3FAE] =	sst s10  }
0x38: {  	s10 =	sld [smem:$0x3FAF]  }
0x39: {  	_ = 	snop;
	(pc) =	sbr.ind lr, $3  }
0x3a: {  	_ = 	snop  }
0x3b: {  	_ = 	snop  }
0x3c: {  	p2 =	seq.s32 s10, $0x1;
	s10 =	sld [smem:$0x3FAE]  }
0x3d: {  	_ =	shalt  }
0x3e: {  	_ =	shalt  }
0x3f: {  	_ =	shalt  }
0x40: {  	_ =	shalt  }
0x41: {  	_ =	shalt  }
0x42: {  	_ =	shalt  }
0x43: {  	_ =	shalt  }
0x44: {  	_ =	shalt  }
0x45: {  	_ =	shalt  }
0x46: {  	_ =	shalt  }
0x47: {  	_ =	shalt  }
0x48: {  	_ =	shalt  }
0x49: {  	_ =	shalt  }
0x4a: {  	_ =	shalt  }
0x4b: {  	_ =	shalt  }
0x4c: {  	_ =	shalt  }
0x4d: {  	_ =	shalt  }
0x4e: {  	_ =	shalt  }
0x4f: {  	_ =	shalt  }
0x50: {  	_ =	shalt  }
0x51: {  	_ =	shalt  }
0x52: {  	_ =	shalt  }
0x53: {  	_ =	shalt  }
0x54: {  	_ =	shalt  }
0x55: {  	_ =	shalt  }
0x56: {  	_ =	shalt  }
0x57: {  	_ =	shalt  }
0x58: {  	_ =	shalt  }
0x59: {  	_ =	shalt  }
0x5a: {  	_ =	shalt  }
0x5b: {  	_ =	shalt  }
0x5c: {  	_ =	shalt  }
0x5d: {  	_ =	shalt  }
0x5e: {  	_ =	shalt  }
0x5f: {  	_ =	shalt  }
0x60: {  	_ =	shalt  }
0x61: {  	_ =	shalt  }
0x62: {  	_ =	shalt  }
0x63: {  	_ =	shalt  }
0x64: {  	_ =	shalt  }
0x65: {  	_ =	shalt  }
0x66: {  	_ =	shalt  }
0x67: {  	_ =	shalt  }
0x68: {  	_ =	shalt  }
0x69: {  	_ =	shalt  }
0x6a: {  	_ =	shalt  }
0x6b: {  	_ =	shalt  }
0x6c: {  	_ =	shalt  }
0x6d: {  	_ =	shalt  }
0x6e: {  	_ =	shalt  }
0x6f: {  	_ =	shalt  }
0x70: {  	_ =	shalt  }
0x71: {  	_ =	shalt  }
0x72: {  	_ =	shalt  }
0x73: {  	_ =	shalt  }
0x74: {  	_ =	shalt  }
0x75: {  	_ =	shalt  }
0x76: {  	_ =	shalt  }
0x77: {  	_ =	shalt  }
0x78: {  	_ =	shalt  }
0x79: {  	_ =	shalt  }
0x7a: {  	_ =	shalt  }
0x7b: {  	_ =	shalt  }
0x7c: {  	_ =	shalt  }
0x7d: {  	_ =	shalt  }
0x7e: {  	_ =	shalt  }
0x7f: {  	_ =	shalt  }
0x80: {  	_ =	shalt  }
0x81: {  	_ =	shalt  }
0x82: {  	_ =	shalt  }
0x83: {  	_ =	shalt  }
0x84: {  	_ =	shalt  }
0x85: {  	_ =	shalt  }
0x86: {  	_ =	shalt  }
0x87: {  	_ =	shalt  }
.Lfunc_end0:
.L_simem_size_0:
called_computation.2_lowered:
.L_overlay_start_0:
0x88: {  	s2 =	sld [smem:$0x3FD9]  }
0x89: {  	s3 =	sld [smem:$0x3FFE];
	_ =	sdelay $0x1  }
0x8a: {  	s1 =	srdreg.scid  }
0x8b: {  	s0 =	sand.u32 $0x1, s1  }
0x8c: {  	s17 =	sshll.u32 s0, $0xA;
	s2 =	sadd.s32 s3, s2  }
0x8d: {  	s2 =	sadd.s32 s2, s17  }
0x8e: {  	[smem:$0x3FBA] =	sst s2  }
0x8f: {  	_ = 	snop  }
0x90: {  	s2 =	sld [smem:$0x3FD0];
	(tm) =	ssettm $0x1  }
0x91: {  	s18 =	sld [smem:$0x3FFB];
	_ =	sdelay $0x3  }
0x92: {  	_ =	strace s18  }
0x93: {  	s3 =	sld [smem:$0x3FFC];
	_ =	sdelay $0x3  }
0x94: {  	_ =	strace s3  }
0x95: {  	s3 =	sld [smem:$0x3FFD];
	_ =	sdelay $0x3  }
0x96: {  	_ =	strace s3  }
0x97: {  	_ =	strace $0x8FFFFFFF  }
0x98: {  	s19 =	sld [smem:$0x3FDB];
	_ =	sdelay $0x1  }
0x99: {  	s4 =	simm.s32 $_scs_section_size  }
0x9a: {  	s5 =	simm.s32 $_size__tile_overlayer_lowered;
	s6 =	simm.s32 $_tile_overlayer_lowered  }
0x9b: {  	s22 =	simm.s32 $0x1BFF;
	s21 =	sshll.u32 s6, $0x1;
	s3 =	sadd.s32 s4, s19  }
0x9c: {  	s7 =	simm.s32 $0x0;
	s20 =	sshll.u32 s5, $0x1;
	s5 =	sadd.s32 s21, s3  }
0x9d: {  	[timem:s7], [sflag:s22] =	dma.local [hbm:s5], s20  }
0x9e: {  	_ =	swait.ge [sflag:s22], s20  }
0x9f: {  	s4 =	ssub.s32 $0x0, s20;
	[sflag:s22] =	ssyncset.done $0x0  }
0xa0: {  	[sflag:s22] =	ssyncadd.s32 s4;
	_ =	sdelay $0x1  }
0xa1: {  	s23 =	simm.s32 $0x1B8B  }
0xa2: {  	_ =	swait.ge [sflag:s23], $0x1  }
0xa3: {  	[sflag:s23] =	ssyncset.done $0x0  }
0xa4: {  	s25 =	simm.s32 $0x1B8E;
	s24 =	sld [smem:$0x3FFE];
	[sflag:s23] =	ssyncadd.s32 $0xFFFFFFFF  }
0xa5: {  	s26 =	simm.s32 $execute0_lowered;
	[smem:$0x3FD2] =	sst s25  }
0xa6: {  	s5 =	sshll.u32 s26, $0x1;
	_ =	strace $0x8000004C;
	[dreg:$0x1] =	wrdreg $0xFFFFFFFF  }
0xa7: {  	s28 =	simm.s32 $_size_execute0_lowered;
	s3 =	sadd.s32 s3, s5;
	[dreg:$0x0] =	wrdreg $0x0  }
0xa8: {  	s5 =	sshll.u32 s28, $0x1;
	[dreg:$0x2] =	wrdreg s3  }
0xa9: {  	[dreg:$0x3] =	wrdreg s5  }
0xaa: {  	[dreg:$0x4] =	wrdreg $0xC0  }
0xab: {  	_ =	task [dreg:s7], $0x5FFFF  }
0xac: {  	[dreg:$0x1] =	wrdreg $0xFFFFFFFF  }
0xad: {  	[dreg:$0x0] =	wrdreg $0x60  }
0xae: {  	[dreg:$0x2] =	wrdreg s2  }
0xaf: {  	[dreg:$0x3] =	wrdreg s24  }
0xb0: {  	[dreg:$0x4] =	wrdreg $0x90000  }
0xb1: {  	[dreg:$0x5] =	wrdreg $0x9  }
0xb2: {  	_ =	task.clear_ibuf [dreg:s7], $0x6FFFF;
	_ =	strace $0x9000004C  }
0xb3: {  	s29 =	simm.s32 $0x9;
	_ =	strace $0x8000004E  }
0xb4: {  	_ =	swait.ge [sflag:s29], $0x1  }
0xb5: {  	[sflag:s29] =	ssyncadd.s32 $0xFFFFFFFF  }
0xb6: {  	_ =	strace $0x9000004E  }
0xb7: {  	_ =	sfence  }
0xb8: {  	s30 =	sld [smem:$0x0];
	_ =	sdelay $0x2  }
0xb9: {  	s31 =	sshll.u32 s1, $0xD;
	s1 =	sshrl.u32 s1, $0x2  }
0xba: {  	s3 =	sand.u32 $0x4000, s31;
	s1 =	sadd.s32 s1, s30  }
0xbb: {  	s0 =	sor.u32 s3, s0;
	s1 =	sshll.u32 s1, $0x11  }
0xbc: {  	s0 =	sor.u32 s1, s0  }
0xbd: {  	s0 =	sadd.s32 $0x8F2B, s0  }
0xbe: {  	[sflag:s0] =	ssyncadd.remote.s32 $0x1  }
0xbf: {  	_ =	sfence.sel $0xFFFF  }
0xc0: {  	[dreg:$0x0] =	wrdreg $0xFFFFFFFF;
	(pc) =	sbr.abs _section_cstart, $3  }
0xc1: {  	[dreg:$0x1] =	wrdreg $0xFFFFFFFF  }
0xc2: {  	_ =	task.clear_ibuf [dreg:s7], $0x2FFFF;
	_ =	strace $0x9FFFFFFF  }
0xc3: {  	(tm) =	ssettm $0x7FFFFFFF  }
tec
execute0_lowered:
.L_overlay_start_1:
0x0: {  	(tag) =	ssettag $0x1  }
0x1: {  	s1 =	rddreg [dreg:$0x0]  }
0x2: {  	s6 =	rddreg [dreg:$0x1]  }
0x3: {  	s0 =	srdreg.scid;
	s3 =	rddreg [dreg:$0x2];
	s4 =	simm.s32 $0x0  }
0x4: {  	s14 =	simm.s32 $0x80;
	s5 =	sand.u32 $0x1, s0;
	s0 =	stileid.u32  }
0x5: {  	s15 =	simm.s32 $0x5000;
	s16 =	simm.s32 $0x1;
	s8 =	smul.u32 $0x2780, s0  }
0x6: {  	s17 =	simm.s32 $0x0;
	[smem:$0x7FF] =	sst s4;
	s9 =	smul.u32 $0x27800, s5  }
0x7: {  	s2 =	sshll.u32 s5, $0x4;
	s10 =	ssub.s32 $0x2, s5;
	s11 =	smul.u32 $0x4F000, s0  }
0x8: {  	s5 =	sadd.s32 $0xFE00, s6;
	s12 =	sshll.u32 s0, $0x6;
	s2 =	sor.u32 s0, s2  }
0x9: {  	s30 =	sshrl.u32 s10, $0x1;
	s12 =	sor.u32 $0x1C02, s12;
	s7 =	smul.u32 $0x500, s2  }
0xa: {  	s2 =	rddreg [dreg:$0x3];
	_ =	strace $0x8000004D;
	s8 =	sadd.s32 s8, s9  }
0xb: {  	s9 =	ssub.s32 s10, s30;
	s31 =	sshrl.u32 s11, $0x2;
	s10 =	simm.s32 $0x2  }
0xc: {  	s11 =	simm.s32 $0x2800;
	s8 =	sadd.s32 s8, s6;
	s13 =	sadd.s32 s31, s3  }
0xd: {  	s9 =	smax.u32 s9, $0x1;
	s7 =	sadd.s32 s7, s6;
	s8 =	sadd.s32 $0x6B600, s8  }
0xe: {  	s13 =	sshrl.u32 s13, $0x3;
	s6 =	sadd.s32 $0x61600, s7;
	s7 =	sadd.s32 $0x5E00, s7  }
.LBB2_1:
0xf: {  	[tilespmem:s4], [sflag:$0x2] =	stream.linear.gather [hbm4b:s6+s4], $0x2780, $0x38;
	[tilespmem:$0x1CC00] =	vst v63  }
0x10: {  	_ =	swait.ge [sflag:s10], $0x2780  }
0x11: {  	[sflag:s10] =	ssyncset.done $0x0  }
0x12: {  	[sflag:s10] =	ssyncadd.s32 $0xFFFFD880  }
0x13: {  	[tilespmem:s11], [sflag:$0x2] =	stream.linear.gather [hbm4b:s7+s4], $0x2780, $0x38;
	[tilespmem:$0x1CC00] =	vst v63  }
0x14: {  	_ =	swait.ge [sflag:s10], $0x2780  }
0x15: {  	[sflag:s10] =	ssyncset.done $0x0  }
0x16: {  	[sflag:s10] =	ssyncadd.s32 $0xFFFFD880  }
0x17: {  	[spmem:s13], [sflag:s12] =	dma.local [hbm:s5], $0x2780  }
0x18: {  	_ =	swait.ge [sflag:s10], $0x2780  }
0x19: {  	[sflag:s10] =	ssyncset.done $0x0  }
0x1a: {  	[sflag:s10] =	ssyncadd.s32 $0xFFFFD880  }
0x1b: {  	s18 =	simm.s32 $0x0;
	[bflag:$0x0] =	sbarrier.arrive $0xFFFF  }
0x1c: {  	[tilespmem:s15], [sflag:$0x1] =	stream.indirect.gather [hbm4b:s1+s14], $0x80, s18, s14, $0xb8;
	[tilespmem:$0x1CC00] =	vst v63  }
0x1d: {  	_ =	swait.ge [sflag:s16], $0x4000  }
0x1e: {  	[sflag:s16] =	ssyncset.done $0x0  }
0x1f: {  	s31 =	simm.s32 $0x2800;
	[sflag:s16] =	ssyncadd.s32 $0xFFFFC000  }
0x20: {  	[spmem:s3] =	stream.indirect.scatter.add.f32 [tilespmem:s15], [sflag:$0x2], $0x80, s31, s14, $0xb8;
	[tilespmem:$0x1CC00] =	vst v63  }
0x21: {  	_ =	swait.ge [sflag:s10], $0x4000  }
0x22: {  	s19 =	simm.s32 $0x400;
	s18 =	simm.s32 $0x200;
	[sflag:s10] =	ssyncset.done $0x0  }
.LBB2_2:
0x23: {  	s20 =	sshra.s32 s18, $0x2  }
0x24: {  	[sflag:s10] =	ssyncadd.s32 $0xFFFFC000;
	s18 =	smov.u32 s19;
	s21 =	sadd.s32 $0x200, s19  }
0x25: {  	[tilespmem:s15], [sflag:$0x1] =	stream.indirect.gather [hbm4b:s1+s14], $0x80, s20, s14, $0xb8;
	[tilespmem:$0x1CC00] =	vst v63  }
0x26: {  	p0 =	sne.s32 s19, $0x9C00;
	_ =	swait.ge [sflag:s16], $0x4000  }
.Ltmp0:
0x27: {  	[sflag:s16] =	ssyncset.done $0x0;
	(pc) =	sbr.rel @p0 .LBB2_2-.Ltmp0, $4  }
0x28: {  	s19 =	sadd.s32 $0x2800, s20;
	[sflag:s16] =	ssyncadd.s32 $0xFFFFC000  }
0x29: {  	[spmem:s3] =	stream.indirect.scatter.add.f32 [tilespmem:s15], [sflag:$0x2], $0x80, s19, s14, $0xb8;
	[tilespmem:$0x1CC00] =	vst v63  }
0x2a: {  	_ =	swait.ge [sflag:s10], $0x4000  }
0x2b: {  	s19 =	smov.u32 s21;
	[sflag:s10] =	ssyncset.done $0x0  }
0x2c: {  	s18 =	sshra.s32 s18, $0x2;
	[sflag:s10] =	ssyncadd.s32 $0xFFFFC000  }
0x2d: {  	[tilespmem:s15], [sflag:$0x1] =	stream.indirect.gather [hbm4b:s1+s14], $0x80, s18, s14, $0xb8;
	[tilespmem:$0x1CC00] =	vst v63  }
0x2e: {  	_ =	swait.ge [sflag:s16], $0x4000  }
0x2f: {  	[sflag:s16] =	ssyncset.done $0x0  }
0x30: {  	s18 =	sadd.s32 $0x2800, s18;
	[sflag:s16] =	ssyncadd.s32 $0xFFFFC000  }
0x31: {  	[spmem:s3] =	stream.indirect.scatter.add.f32 [tilespmem:s15], [sflag:$0x2], $0x80, s18, s14, $0xb8;
	[tilespmem:$0x1CC00] =	vst v63  }
0x32: {  	_ =	swait.ge [sflag:s10], $0x4000  }
0x33: {  	s17 =	sadd.s32 $0x1, s17;
	[sflag:s10] =	ssyncset.done $0x0  }
0x34: {  	p0 =	sne.s32 s17, s9;
	[sflag:s10] =	ssyncadd.s32 $0xFFFFC000  }
.Ltmp1:
0x35: {  	[bflag:$0x0] =	sbarrier.arrive $0xFFFF;
	(pc) =	sbr.rel @p0 .LBB2_1-.Ltmp1, $4  }
0x36: {  	[hbm:s8], [sflag:s12] =	dma.local [spmem:s13], $0x2780  }
0x37: {  	_ =	swait.ge [sflag:s10], $0x2780  }
0x38: {  	[sflag:s10] =	ssyncset.done $0x0  }
0x39: {  	[sflag:s10] =	ssyncadd.s32 $0xFFFFD880  }
0x3a: {  	_ =	sfence.sel $0x180000  }
0x3b: {  	[bflag:$0x0] =	sbarrier.arrive $0xFFFF  }
0x3c: {  	p0 =	sne.s32 s0, $0x0;
	_ =	strace $0x9000004D  }
0x3d: {  	s0 =	sadd.s32 @!p0 $0x100000, s2;
	[bflag:$0x2] =	sbarrier.arrive $0xFFFF  }
0x3e: {  	[sflag:s0] =	ssyncadd.tile.s32 @!p0 $0x1;
	_ =	shalt  }
.Lfunc_end2:
_tile_overlayer_lowered:
.L_overlay_start_2:
0x3f: {  	(tag) =	ssettag $0x2  }
0x40: {  	s0 =	rddreg [dreg:$0x0];
	s2 =	stileid.u32  }
0x41: {  	s1 =	rddreg [dreg:$0x1];
	p0 =	sne.s32 s2, $0x0  }
0x42: {  	s3 =	rddreg [dreg:$0x2];
	[bflag:$0x3] =	sbarrier.arrive $0xFFFF;
	s2 =	simm.s32 @!p0 $0x1C02  }
0x43: {  	[timem:s3], [sflag:s2] =	dma.local @!p0 [hbm:s0], s1  }
0x44: {  	s0 =	simm.s32 @!p0 $0x2  }
0x45: {  	_ =	swait.ge @!p0 [sflag:s0], s1  }
0x46: {  	s1 =	ssub.s32 @!p0 $0x0, s1;
	[sflag:s0] =	ssyncset.done @!p0 $0x0  }
0x47: {  	[sflag:s0] =	ssyncadd.s32 @!p0 s1  }
0x48: {  	[bflag:$0x3] =	sbarrier.arrive $0xFFFF  }
0x49: {  	_ =	shalt  }

// kernel: kernel.22.cloned.1.call-start
scs
__scs_entry_jumppad:
0x0: {  	(pc) =	sbr.rel $0x88, $3  }
0x1: {  	(tag) =	ssettag $0x0;
	lr =	simm.s32 $0x1  }
0x2: {  	[smem:$0x3F93] =	sst lr;
	_ =	strace $0xD0000000  }
0x3: {  	_ = 	snop  }
0x4: {  	_ = 	snop  }
0x5: {  	_ = 	snop  }
0x6: {  	_ = 	snop  }
0x7: {  	_ = 	snop  }
__scs_overlays_trampoline_lowered:
0x8: {  	[smem:$0x3FA2] =	sst s0  }
0x9: {  	[smem:$0x3FA3] =	sst s1  }
0xa: {  	[smem:$0x3FA4] =	sst s2  }
0xb: {  	[smem:$0x3FA5] =	sst s3  }
0xc: {  	[smem:$0x3FA6] =	sst s4  }
0xd: {  	[smem:$0x3FA7] =	sst s5  }
0xe: {  	[smem:$0x3FA8] =	sst s6  }
0xf: {  	[smem:$0x3FA9] =	sst s7  }
0x10: {  	[smem:$0x3FAA] =	sst s8  }
0x11: {  	[smem:$0x3FAB] =	sst s9;
	s0 =	simm.s32 @!p0 $0x0  }
0x12: {  	s1 =	sld [smem:$0x3F91];
	s0 =	simm.s32 @p0 $0x1  }
0x13: {  	[smem:$0x3FAC] =	sst s0;
	s0 =	simm.s32 @!p1 $0x0  }
0x14: {  	s2 =	sld [smem:$0x3F90];
	s0 =	simm.s32 @p1 $0x1  }
0x15: {  	[smem:$0x3FAD] =	sst s0;
	s0 =	simm.s32 @!p2 $0x0  }
0x16: {  	s3 =	sld [smem:$0x3FDB];
	s0 =	simm.s32 @p2 $0x1  }
0x17: {  	s4 =	simm.s32 $0x1BF5;
	[smem:$0x3FAF] =	sst s0  }
0x18: {  	s0 =	sld [smem:$0x3F92];
	_ =	swait.ge [sflag:s4], $0x0  }
0x19: {  	s7 =	sld [smem:$0x3F93]  }
0x1a: {  	s8 =	sadd.s32 $0xFFFFE003, lr  }
0x1b: {  	s9 =	sadd.s32 $0xFFFFFEF7, lr;
	s5 =	simm.s32 $0xFFFFFFFF;
	p2 =	slt.u32 s8, $0xFFFFF086  }
0x1c: {  	p1 =	slt.u32 s9, $0xF7A;
	s5 =	simm.s32 @!p2 $0x0  }
0x1d: {  	s5 =	simm.s32 @p1 $0x1;
	p0 =	seq.s32 s7, s2  }
0x1e: {  	s7 =	smul.u32 @!p0 $0xF7A, s2;
	p2 =	seq.s32 @!p0 s5, $0x0  }
0x1f: {  	s9 =	smul.u32 $0xF7A, s1;
	s8 =	simm.s32 @!p0 $0x1BF5;
	p2 =	por !p2, p0  }
0x20: {  	[sflag:s8] =	ssyncset.s32 @!p0 $0xFFFFF086;
	s6 =	sadd.s32 @!p0 s3, s7;
	s7 =	simm.s32 @!p0 $0x108  }
0x21: {  	s3 =	sadd.s32 s3, s9;
	s6 =	sadd.s32 @!p0 $0x88, s6;
	s7 =	simm.s32 @p2 $0x1082  }
0x22: {  	[simem:s7], [sflag:s8] =	dma.local @!p0 [hbm:s6], $0xF7A  }
0x23: {  	s9 =	sor.u32 $0xD0000000, s2;
	s6 =	simm.s32 $0x108;
	_ =	swait.ge @!p0 [sflag:s8], $0x0  }
0x24: {  	s3 =	sadd.s32 $0x88, s3;
	s6 =	simm.s32 @!p1 $0x1082;
	[sflag:s4] =	ssyncset.s32 $0xFFFFF086  }
0x25: {  	[simem:s6], [sflag:s4] =	dma.local [hbm:s3], $0xF7A  }
0x26: {  	[smem:$0x3F93] =	sst s1;
	(tag) =	ssettag s2;
	_ =	strace s9  }
0x27: {  	s1 =	sld [smem:$0x3FA3]  }
0x28: {  	s2 =	sld [smem:$0x3FA4]  }
0x29: {  	s4 =	sld [smem:$0x3FA6]  }
0x2a: {  	p0 =	seq.s32 s5, $0x0;
	s5 =	sld [smem:$0x3FA7]  }
0x2b: {  	s6 =	sld [smem:$0x3FA8]  }
0x2c: {  	s7 =	sld [smem:$0x3FA9]  }
0x2d: {  	s3 =	simm.s32 $0x108;
	s8 =	sld [smem:$0x3FAA]  }
0x2e: {  	s3 =	simm.s32 @!p0 $0x1082;
	s9 =	sld [smem:$0x3FAB]  }
0x2f: {  	lr =	sadd.s32 s0, s3;
	s0 =	sld [smem:$0x3FA2]  }
0x30: {  	s3 =	sld [smem:$0x3FA5]  }
0x31: {  	[smem:$0x3FAE] =	sst s10  }
0x32: {  	s10 =	sld [smem:$0x3FAC];
	_ =	sdelay $0x3  }
0x33: {  	p0 =	seq.s32 s10, $0x1;
	s10 =	sld [smem:$0x3FAE];
	_ =	sdelay $0x3  }
0x34: {  	[smem:$0x3FAE] =	sst s10  }
0x35: {  	s10 =	sld [smem:$0x3FAD];
	_ =	sdelay $0x3  }
0x36: {  	p1 =	seq.s32 s10, $0x1;
	s10 =	sld [smem:$0x3FAE];
	_ =	sdelay $0x3  }
0x37: {  	[smem:$0x3FAE] =	sst s10  }
0x38: {  	s10 =	sld [smem:$0x3FAF]  }
0x39: {  	_ = 	snop;
	(pc) =	sbr.ind lr, $3  }
0x3a: {  	_ = 	snop  }
0x3b: {  	_ = 	snop  }
0x3c: {  	p2 =	seq.s32 s10, $0x1;
	s10 =	sld [smem:$0x3FAE]  }
0x3d: {  	_ =	shalt  }
0x3e: {  	_ =	shalt  }
0x3f: {  	_ =	shalt  }
0x40: {  	_ =	shalt  }
0x41: {  	_ =	shalt  }
0x42: {  	_ =	shalt  }
0x43: {  	_ =	shalt  }
0x44: {  	_ =	shalt  }
0x45: {  	_ =	shalt  }
0x46: {  	_ =	shalt  }
0x47: {  	_ =	shalt  }
0x48: {  	_ =	shalt  }
0x49: {  	_ =	shalt  }
0x4a: {  	_ =	shalt  }
0x4b: {  	_ =	shalt  }
0x4c: {  	_ =	shalt  }
0x4d: {  	_ =	shalt  }
0x4e: {  	_ =	shalt  }
0x4f: {  	_ =	shalt  }
0x50: {  	_ =	shalt  }
0x51: {  	_ =	shalt  }
0x52: {  	_ =	shalt  }
0x53: {  	_ =	shalt  }
0x54: {  	_ =	shalt  }
0x55: {  	_ =	shalt  }
0x56: {  	_ =	shalt  }
0x57: {  	_ =	shalt  }
0x58: {  	_ =	shalt  }
0x59: {  	_ =	shalt  }
0x5a: {  	_ =	shalt  }
0x5b: {  	_ =	shalt  }
0x5c: {  	_ =	shalt  }
0x5d: {  	_ =	shalt  }
0x5e: {  	_ =	shalt  }
0x5f: {  	_ =	shalt  }
0x60: {  	_ =	shalt  }
0x61: {  	_ =	shalt  }
0x62: {  	_ =	shalt  }
0x63: {  	_ =	shalt  }
0x64: {  	_ =	shalt  }
0x65: {  	_ =	shalt  }
0x66: {  	_ =	shalt  }
0x67: {  	_ =	shalt  }
0x68: {  	_ =	shalt  }
0x69: {  	_ =	shalt  }
0x6a: {  	_ =	shalt  }
0x6b: {  	_ =	shalt  }
0x6c: {  	_ =	shalt  }
0x6d: {  	_ =	shalt  }
0x6e: {  	_ =	shalt  }
0x6f: {  	_ =	shalt  }
0x70: {  	_ =	shalt  }
0x71: {  	_ =	shalt  }
0x72: {  	_ =	shalt  }
0x73: {  	_ =	shalt  }
0x74: {  	_ =	shalt  }
0x75: {  	_ =	shalt  }
0x76: {  	_ =	shalt  }
0x77: {  	_ =	shalt  }
0x78: {  	_ =	shalt  }
0x79: {  	_ =	shalt  }
0x7a: {  	_ =	shalt  }
0x7b: {  	_ =	shalt  }
0x7c: {  	_ =	shalt  }
0x7d: {  	_ =	shalt  }
0x7e: {  	_ =	shalt  }
0x7f: {  	_ =	shalt  }
0x80: {  	_ =	shalt  }
0x81: {  	_ =	shalt  }
0x82: {  	_ =	shalt  }
0x83: {  	_ =	shalt  }
0x84: {  	_ =	shalt  }
0x85: {  	_ =	shalt  }
0x86: {  	_ =	shalt  }
0x87: {  	_ =	shalt  }
.Lfunc_end0:
.L_simem_size_0:
called_computation.3_lowered:
.L_overlay_start_0:
0x88: {  	s2 =	sld [smem:$0x3FD9]  }
0x89: {  	s3 =	sld [smem:$0x3FFE];
	_ =	sdelay $0x1  }
0x8a: {  	s1 =	srdreg.scid  }
0x8b: {  	s0 =	sand.u32 $0x1, s1  }
0x8c: {  	s17 =	sshll.u32 s0, $0xA;
	s2 =	sadd.s32 s3, s2  }
0x8d: {  	s2 =	sadd.s32 s2, s17  }
0x8e: {  	[smem:$0x3FBA] =	sst s2  }
0x8f: {  	_ = 	snop  }
0x90: {  	s2 =	sld [smem:$0x3FD0];
	(tm) =	ssettm $0x1  }
0x91: {  	s18 =	sld [smem:$0x3FFB];
	_ =	sdelay $0x3  }
0x92: {  	_ =	strace s18  }
0x93: {  	s3 =	sld [smem:$0x3FFC];
	_ =	sdelay $0x3  }
0x94: {  	_ =	strace s3  }
0x95: {  	s3 =	sld [smem:$0x3FFD];
	_ =	sdelay $0x3  }
0x96: {  	_ =	strace s3  }
0x97: {  	_ =	strace $0x8FFFFFFF  }
0x98: {  	s19 =	sld [smem:$0x3FDB];
	_ =	sdelay $0x1  }
0x99: {  	s4 =	simm.s32 $_scs_section_size  }
0x9a: {  	s5 =	simm.s32 $_size__tile_overlayer_lowered;
	s6 =	simm.s32 $_tile_overlayer_lowered  }
0x9b: {  	s22 =	simm.s32 $0x1BFF;
	s21 =	sshll.u32 s6, $0x1;
	s3 =	sadd.s32 s4, s19  }
0x9c: {  	s7 =	simm.s32 $0x0;
	s20 =	sshll.u32 s5, $0x1;
	s5 =	sadd.s32 s21, s3  }
0x9d: {  	[timem:s7], [sflag:s22] =	dma.local [hbm:s5], s20  }
0x9e: {  	_ =	swait.ge [sflag:s22], s20  }
0x9f: {  	s4 =	ssub.s32 $0x0, s20;
	[sflag:s22] =	ssyncset.done $0x0  }
0xa0: {  	[sflag:s22] =	ssyncadd.s32 s4;
	_ =	sdelay $0x1  }
0xa1: {  	s23 =	simm.s32 $0x1B8B  }
0xa2: {  	_ =	swait.ge [sflag:s23], $0x1  }
0xa3: {  	[sflag:s23] =	ssyncset.done $0x0  }
0xa4: {  	s25 =	simm.s32 $0x1B8E;
	s24 =	sld [smem:$0x3FFE];
	[sflag:s23] =	ssyncadd.s32 $0xFFFFFFFF  }
0xa5: {  	s26 =	simm.s32 $execute0_lowered;
	[smem:$0x3FD2] =	sst s25  }
0xa6: {  	s5 =	sshll.u32 s26, $0x1;
	_ =	strace $0x8000004F;
	[dreg:$0x1] =	wrdreg $0xFFFFFFFF  }
0xa7: {  	s28 =	simm.s32 $_size_execute0_lowered;
	s3 =	sadd.s32 s3, s5;
	[dreg:$0x0] =	wrdreg $0x0  }
0xa8: {  	s5 =	sshll.u32 s28, $0x1;
	[dreg:$0x2] =	wrdreg s3  }
0xa9: {  	[dreg:$0x3] =	wrdreg s5  }
0xaa: {  	[dreg:$0x4] =	wrdreg $0xC0  }
0xab: {  	_ =	task [dreg:s7], $0x5FFFF  }
0xac: {  	[dreg:$0x1] =	wrdreg $0xFFFFFFFF  }
0xad: {  	[dreg:$0x0] =	wrdreg $0x60  }
0xae: {  	[dreg:$0x2] =	wrdreg s2  }
0xaf: {  	[dreg:$0x3] =	wrdreg s24  }
0xb0: {  	[dreg:$0x4] =	wrdreg $0x90000  }
0xb1: {  	[dreg:$0x5] =	wrdreg $0x9  }
0xb2: {  	_ =	task.clear_ibuf [dreg:s7], $0x6FFFF;
	_ =	strace $0x9000004F  }
0xb3: {  	s29 =	simm.s32 $0x9;
	_ =	strace $0x80000051  }
0xb4: {  	_ =	swait.ge [sflag:s29], $0x1  }
0xb5: {  	[sflag:s29] =	ssyncadd.s32 $0xFFFFFFFF  }
0xb6: {  	_ =	strace $0x90000051  }
0xb7: {  	_ =	sfence  }
0xb8: {  	s30 =	sld [smem:$0x0];
	_ =	sdelay $0x2  }
0xb9: {  	s31 =	sshll.u32 s1, $0xD;
	s1 =	sshrl.u32 s1, $0x2  }
0xba: {  	s3 =	sand.u32 $0x4000, s31;
	s1 =	sadd.s32 s1, s30  }
0xbb: {  	s0 =	sor.u32 s3, s0;
	s1 =	sshll.u32 s1, $0x11  }
0xbc: {  	s0 =	sor.u32 s1, s0  }
0xbd: {  	s0 =	sadd.s32 $0x8F2B, s0  }
0xbe: {  	[sflag:s0] =	ssyncadd.remote.s32 $0x1  }
0xbf: {  	_ =	sfence.sel $0xFFFF  }
0xc0: {  	[dreg:$0x0] =	wrdreg $0xFFFFFFFF;
	(pc) =	sbr.abs _section_cstart, $3  }
0xc1: {  	[dreg:$0x1] =	wrdreg $0xFFFFFFFF  }
0xc2: {  	_ =	task.clear_ibuf [dreg:s7], $0x2FFFF;
	_ =	strace $0x9FFFFFFF  }
0xc3: {  	(tm) =	ssettm $0x7FFFFFFF  }
tec
execute0_lowered:
.L_overlay_start_1:
0x0: {  	(tag) =	ssettag $0x1  }
0x1: {  	s1 =	rddreg [dreg:$0x0]  }
0x2: {  	s6 =	rddreg [dreg:$0x1]  }
0x3: {  	s0 =	srdreg.scid;
	s3 =	rddreg [dreg:$0x2];
	s4 =	simm.s32 $0x0  }
0x4: {  	s14 =	simm.s32 $0x80;
	s5 =	sand.u32 $0x1, s0;
	s0 =	stileid.u32  }
0x5: {  	s15 =	simm.s32 $0x5000;
	s16 =	simm.s32 $0x1;
	s8 =	smul.u32 $0x2780, s0  }
0x6: {  	s17 =	simm.s32 $0x0;
	[smem:$0x7FF] =	sst s4;
	s9 =	smul.u32 $0x27800, s5  }
0x7: {  	s2 =	sshll.u32 s5, $0x4;
	s10 =	ssub.s32 $0x2, s5;
	s11 =	smul.u32 $0x4F000, s0  }
0x8: {  	s5 =	sadd.s32 $0xFE00, s6;
	s12 =	sshll.u32 s0, $0x6;
	s2 =	sor.u32 s0, s2  }
0x9: {  	s30 =	sshrl.u32 s10, $0x1;
	s12 =	sor.u32 $0x1C02, s12;
	s7 =	smul.u32 $0x500, s2  }
0xa: {  	s2 =	rddreg [dreg:$0x3];
	_ =	strace $0x80000050;
	s8 =	sadd.s32 s8, s9  }
0xb: {  	s9 =	ssub.s32 s10, s30;
	s31 =	sshrl.u32 s11, $0x2;
	s10 =	simm.s32 $0x2  }
0xc: {  	s11 =	simm.s32 $0x2800;
	s8 =	sadd.s32 s8, s6;
	s13 =	sadd.s32 s31, s3  }
0xd: {  	s9 =	smax.u32 s9, $0x1;
	s7 =	sadd.s32 s7, s6;
	s8 =	sadd.s32 $0x6B600, s8  }
0xe: {  	s13 =	sshrl.u32 s13, $0x3;
	s6 =	sadd.s32 $0x61600, s7;
	s7 =	sadd.s32 $0x5E00, s7  }
.LBB2_1:
0xf: {  	[tilespmem:s4], [sflag:$0x2] =	stream.linear.gather [hbm4b:s6+s4], $0x2780, $0x38;
	[tilespmem:$0x1CC00] =	vst v63  }
0x10: {  	_ =	swait.ge [sflag:s10], $0x2780  }
0x11: {  	[sflag:s10] =	ssyncset.done $0x0  }
0x12: {  	[sflag:s10] =	ssyncadd.s32 $0xFFFFD880  }
0x13: {  	[tilespmem:s11], [sflag:$0x2] =	stream.linear.gather [hbm4b:s7+s4], $0x2780, $0x38;
	[tilespmem:$0x1CC00] =	vst v63  }
0x14: {  	_ =	swait.ge [sflag:s10], $0x2780  }
0x15: {  	[sflag:s10] =	ssyncset.done $0x0  }
0x16: {  	[sflag:s10] =	ssyncadd.s32 $0xFFFFD880  }
0x17: {  	[spmem:s13], [sflag:s12] =	dma.local [hbm:s5], $0x2780  }
0x18: {  	_ =	swait.ge [sflag:s10], $0x2780  }
0x19: {  	[sflag:s10] =	ssyncset.done $0x0  }
0x1a: {  	[sflag:s10] =	ssyncadd.s32 $0xFFFFD880  }
0x1b: {  	s18 =	simm.s32 $0x0;
	[bflag:$0x0] =	sbarrier.arrive $0xFFFF  }
0x1c: {  	[tilespmem:s15], [sflag:$0x1] =	stream.indirect.gather [hbm4b:s1+s14], $0x80, s18, s14, $0xb8;
	[tilespmem:$0x1CC00] =	vst v63  }
0x1d: {  	_ =	swait.ge [sflag:s16], $0x4000  }
0x1e: {  	[sflag:s16] =	ssyncset.done $0x0  }
0x1f: {  	s31 =	simm.s32 $0x2800;
	[sflag:s16] =	ssyncadd.s32 $0xFFFFC000  }
0x20: {  	[spmem:s3] =	stream.indirect.scatter.add.f32 [tilespmem:s15], [sflag:$0x2], $0x80, s31, s14, $0xb8;
	[tilespmem:$0x1CC00] =	vst v63  }
0x21: {  	_ =	swait.ge [sflag:s10], $0x4000  }
0x22: {  	s19 =	simm.s32 $0x400;
	s18 =	simm.s32 $0x200;
	[sflag:s10] =	ssyncset.done $0x0  }
.LBB2_2:
0x23: {  	s20 =	sshra.s32 s18, $0x2  }
0x24: {  	[sflag:s10] =	ssyncadd.s32 $0xFFFFC000;
	s18 =	smov.u32 s19;
	s21 =	sadd.s32 $0x200, s19  }
0x25: {  	[tilespmem:s15], [sflag:$0x1] =	stream.indirect.gather [hbm4b:s1+s14], $0x80, s20, s14, $0xb8;
	[tilespmem:$0x1CC00] =	vst v63  }
0x26: {  	p0 =	sne.s32 s19, $0x9C00;
	_ =	swait.ge [sflag:s16], $0x4000  }
.Ltmp0:
0x27: {  	[sflag:s16] =	ssyncset.done $0x0;
	(pc) =	sbr.rel @p0 .LBB2_2-.Ltmp0, $4  }
0x28: {  	s19 =	sadd.s32 $0x2800, s20;
	[sflag:s16] =	ssyncadd.s32 $0xFFFFC000  }
0x29: {  	[spmem:s3] =	stream.indirect.scatter.add.f32 [tilespmem:s15], [sflag:$0x2], $0x80, s19, s14, $0xb8;
	[tilespmem:$0x1CC00] =	vst v63  }
0x2a: {  	_ =	swait.ge [sflag:s10], $0x4000  }
0x2b: {  	s19 =	smov.u32 s21;
	[sflag:s10] =	ssyncset.done $0x0  }
0x2c: {  	s18 =	sshra.s32 s18, $0x2;
	[sflag:s10] =	ssyncadd.s32 $0xFFFFC000  }
0x2d: {  	[tilespmem:s15], [sflag:$0x1] =	stream.indirect.gather [hbm4b:s1+s14], $0x80, s18, s14, $0xb8;
	[tilespmem:$0x1CC00] =	vst v63  }
0x2e: {  	_ =	swait.ge [sflag:s16], $0x4000  }
0x2f: {  	[sflag:s16] =	ssyncset.done $0x0  }
0x30: {  	s18 =	sadd.s32 $0x2800, s18;
	[sflag:s16] =	ssyncadd.s32 $0xFFFFC000  }
0x31: {  	[spmem:s3] =	stream.indirect.scatter.add.f32 [tilespmem:s15], [sflag:$0x2], $0x80, s18, s14, $0xb8;
	[tilespmem:$0x1CC00] =	vst v63  }
0x32: {  	_ =	swait.ge [sflag:s10], $0x4000  }
0x33: {  	s17 =	sadd.s32 $0x1, s17;
	[sflag:s10] =	ssyncset.done $0x0  }
0x34: {  	p0 =	sne.s32 s17, s9;
	[sflag:s10] =	ssyncadd.s32 $0xFFFFC000  }
.Ltmp1:
0x35: {  	[bflag:$0x0] =	sbarrier.arrive $0xFFFF;
	(pc) =	sbr.rel @p0 .LBB2_1-.Ltmp1, $4  }
0x36: {  	[hbm:s8], [sflag:s12] =	dma.local [spmem:s13], $0x2780  }
0x37: {  	_ =	swait.ge [sflag:s10], $0x2780  }
0x38: {  	[sflag:s10] =	ssyncset.done $0x0  }
0x39: {  	[sflag:s10] =	ssyncadd.s32 $0xFFFFD880  }
0x3a: {  	_ =	sfence.sel $0x180000  }
0x3b: {  	[bflag:$0x0] =	sbarrier.arrive $0xFFFF  }
0x3c: {  	p0 =	sne.s32 s0, $0x0;
	_ =	strace $0x90000050  }
0x3d: {  	s0 =	sadd.s32 @!p0 $0x100000, s2;
	[bflag:$0x2] =	sbarrier.arrive $0xFFFF  }
0x3e: {  	[sflag:s0] =	ssyncadd.tile.s32 @!p0 $0x1;
	_ =	shalt  }
.Lfunc_end2:
_tile_overlayer_lowered:
.L_overlay_start_2:
0x3f: {  	(tag) =	ssettag $0x2  }
0x40: {  	s0 =	rddreg [dreg:$0x0];
	s2 =	stileid.u32  }
0x41: {  	s1 =	rddreg [dreg:$0x1];
	p0 =	sne.s32 s2, $0x0  }
0x42: {  	s3 =	rddreg [dreg:$0x2];
	[bflag:$0x3] =	sbarrier.arrive $0xFFFF;
	s2 =	simm.s32 @!p0 $0x1C02  }
0x43: {  	[timem:s3], [sflag:s2] =	dma.local @!p0 [hbm:s0], s1  }
0x44: {  	s0 =	simm.s32 @!p0 $0x2  }
0x45: {  	_ =	swait.ge @!p0 [sflag:s0], s1  }
0x46: {  	s1 =	ssub.s32 @!p0 $0x0, s1;
	[sflag:s0] =	ssyncset.done @!p0 $0x0  }
0x47: {  	[sflag:s0] =	ssyncadd.s32 @!p0 s1  }
0x48: {  	[bflag:$0x3] =	sbarrier.arrive $0xFFFF  }
0x49: {  	_ =	shalt  }

</sc_bundles>
